<compile_context>
chip_gen: v7x
topology: tpu7x:2x2x1
jax: 0.10.2.dev20260603
libtpu: 0.0.44.dev20260713+nightly
codegen_flags: <defaults>
</compile_context>

<pallas_src>
import functools

import jax
import jax.numpy as jnp
from jax import lax
from jax.experimental import pallas as pl
from jax.experimental.pallas import tpu as pltpu
from jax.experimental.pallas import tpu_sc as plsc

N_INPUT = 1024
N_OUT = 976
N = 50000
OUT_S = N - N_OUT
FAN = 32
NT = 16
TS = 3136
NPAD = NT * TS
NVR = TS // 16
DEAD = N
CH = 16
THRESH = 0.3
NEG_INV_TAU = -1.0 / 20.0


def _snn_body(spk, mtv, wts, tgt, out_t, out_p,
              delta_sh, recv_sh,
              pot_v, lu_v, ft_v, dr_v, rc_v, zero_v, fr_v,
              w2_v, t2_v, wf_v, tf_v, one_v, spk_v, mt_v):
    wid = lax.axis_index("s")
    base = wid * TS
    iota = lax.iota(jnp.int32, 16)

    pltpu.sync_copy(mtv, mt_v)
    max_t = jnp.max(mt_v[...])
    pltpu.sync_copy(spk, spk_v)

    zf = jnp.zeros((16,), jnp.float32)

    def init_i(i, _):
        sl = pl.ds(i * 16, 16)
        pot_v[sl] = zf
        lu_v[sl] = zf
        zero_v[sl] = zf
        gi = base + i * 16 + iota
        ft_v[sl] = jnp.where(gi >= N, 0, -1)
        return 0

    lax.fori_loop(0, NVR, init_i, 0)

    def init_o(i, _):
        one_v[pl.ds(i * 16, 16)] = jnp.ones((16,), jnp.float32)
        return 0

    lax.fori_loop(0, CH * FAN // 16, init_o, 0)

    def in_i(j, c):
        i = wid * (N_INPUT // NT // 16) + j
        sl = pl.ds(i * 16, 16)
        s = spk_v[sl] > 0
        gi = i * 16 + iota
        plsc.store_compressed(fr_v.at[pl.ds(c, 16)], gi, mask=s)
        return c + jnp.max(plsc.all_reduce_population_count(s))

    c0 = lax.fori_loop(0, N_INPUT // NT // 16, in_i, jnp.int32(0))

    my_sl = pl.ds(base, TS)
    pltpu.sync_copy(zero_v, delta_sh.at[my_sl])
    pltpu.sync_copy(zero_v, recv_sh.at[my_sl])
    plsc.subcore_barrier()

    def step(t, c):
        fr_v[pl.ds(c, 16)] = jnp.full((16,), DEAD, jnp.int32)
        nch = (c + CH - 1) >> 4

        def chunk(k, _):
            idxs = fr_v.at[pl.ds(k * CH, CH)]
            pltpu.sync_copy(wts.at[idxs], w2_v)
            pltpu.sync_copy(tgt.at[idxs], t2_v)

            def flat(r, _):
                wf_v[pl.ds(r * FAN, 16)] = w2_v[r, pl.ds(0, 16)]
                wf_v[pl.ds(r * FAN + 16, 16)] = w2_v[r, pl.ds(16, 16)]
                tf_v[pl.ds(r * FAN, 16)] = t2_v[r, pl.ds(0, 16)]
                tf_v[pl.ds(r * FAN + 16, 16)] = t2_v[r, pl.ds(16, 16)]
                return 0

            lax.fori_loop(0, CH, flat, 0)
            pltpu.sync_copy(wf_v, delta_sh.at[tf_v], add=True)
            pltpu.sync_copy(one_v, recv_sh.at[tf_v], add=True)
            return 0

        lax.fori_loop(0, nch, chunk, 0)
        plsc.subcore_barrier()

        pltpu.sync_copy(delta_sh.at[my_sl], dr_v)
        pltpu.sync_copy(recv_sh.at[my_sl], rc_v)
        pltpu.sync_copy(zero_v, delta_sh.at[my_sl])
        pltpu.sync_copy(zero_v, recv_sh.at[my_sl])
        strength = jnp.where(t == 0, jnp.float32(2.0), jnp.float32(1.0))
        tf32 = t.astype(jnp.float32)

        def dense(i, cn):
            sl = pl.ds(i * 16, 16)
            m = rc_v[sl] > 0.0
            pot = pot_v[sl]
            lu = lu_v[sl]
            ft = ft_v[sl]
            dec = jnp.exp((tf32 - lu) * NEG_INV_TAU)
            pot = jnp.where(m, pot * dec + strength * dr_v[sl], pot)
            lu_v[sl] = jnp.where(m, tf32, lu)
            nf = m & (pot >= THRESH) & (ft < 0)
            pot_v[sl] = pot
            ft_v[sl] = jnp.where(nf, t, ft)
            gi = base + i * 16 + iota
            fm = nf & (gi < OUT_S)
            plsc.store_compressed(fr_v.at[pl.ds(cn, 16)], gi, mask=fm)
            return cn + jnp.max(plsc.all_reduce_population_count(fm))

        cnew = lax.fori_loop(0, NVR, dense, jnp.int32(0))
        plsc.subcore_barrier()
        return cnew

    lax.fori_loop(0, max_t, step, c0)

    @pl.when(wid == NT - 1)
    def _():
        off = OUT_S - (NT - 1) * TS
        pltpu.sync_copy(ft_v.at[pl.ds(off, N_OUT)], out_t)
        pltpu.sync_copy(pot_v.at[pl.ds(off, N_OUT)], out_p)


_snn = pl.kernel(
    _snn_body,
    out_type=[
        jax.ShapeDtypeStruct((N_OUT,), jnp.int32),
        jax.ShapeDtypeStruct((N_OUT,), jnp.float32),
    ],
    mesh=plsc.VectorSubcoreMesh(
        core_axis_name="c", subcore_axis_name="s", num_cores=1, num_subcores=NT
    ),
    compiler_params=pltpu.CompilerParams(
        needs_layout_passes=False, use_tc_tiling_on_sc=False
    ),
    scratch_types=[
        pltpu.VMEM_SHARED((NPAD,), jnp.float32),
        pltpu.VMEM_SHARED((NPAD,), jnp.float32),
        pltpu.VMEM((TS,), jnp.float32),
        pltpu.VMEM((TS,), jnp.float32),
        pltpu.VMEM((TS,), jnp.int32),
        pltpu.VMEM((TS,), jnp.float32),
        pltpu.VMEM((TS,), jnp.float32),
        pltpu.VMEM((TS,), jnp.float32),
        pltpu.VMEM((TS + 16,), jnp.int32),
        pltpu.VMEM((CH, FAN), jnp.float32),
        pltpu.VMEM((CH, FAN), jnp.int32),
        pltpu.VMEM((CH * FAN,), jnp.float32),
        pltpu.VMEM((CH * FAN,), jnp.int32),
        pltpu.VMEM((CH * FAN,), jnp.float32),
        pltpu.VMEM((N_INPUT,), jnp.int32),
        pltpu.VMEM((16,), jnp.int32),
    ],
)


def kernel(input_spikes, max_timesteps, weights, targets):
    spk = input_spikes.astype(jnp.int32)
    mt = jnp.full((16,), max_timesteps, jnp.int32)
    w = jnp.zeros((NPAD, FAN), jnp.float32).at[:N].set(weights)
    tg = jnp.full((NPAD, FAN), DEAD, jnp.int32).at[:N].set(targets)
    out_t, out_p = _snn(spk, mt, w, tg)
    return out_t, out_p

# --- scband reference (transcript-rebuilt; emitter-appended) ---
"""Pipeline reference for scband-lazy-graph-snn-37108517437873 (READ-ONLY COPY).

The authoritative reference and input builder live on the scoring server;
editing this copy changes nothing except your own understanding.
"""

import jax, jax.numpy as jnp
import numpy as np

NUM_INPUT = 1024
NUM_HIDDEN = 48000
NUM_OUTPUT = 976
N = NUM_INPUT + NUM_HIDDEN + NUM_OUTPUT
FAN_OUT = 32
TAU = 20.0
THRESHOLD = 0.3
SCALE = 25.0
HID_S = NUM_INPUT
HID_E = NUM_INPUT + NUM_HIDDEN
OUT_S = HID_E

@jax.custom_vjp
def surrogate_spike(v):
    return (v >= THRESHOLD).astype(jnp.float32)

def _ss_fwd(v):
    return (v >= THRESHOLD).astype(jnp.float32), v

def _ss_bwd(v, g):
    sig = jax.nn.sigmoid(SCALE * (v - THRESHOLD))
    return (g * SCALE * sig * (1.0 - sig),)

surrogate_spike.defvjp(_ss_fwd, _ss_bwd)

def setup_inputs(seed: int = 0):
    key = jax.random.key(seed)
    k1, k2 = jax.random.split(key)
    input_spikes = jax.random.randint(k1, (NUM_INPUT,), 0, 2).astype(bool)
    weights = jax.random.normal(k2, (N, FAN_OUT), dtype=jnp.float32) * 0.3
    rng = np.random.RandomState(42)
    tin = rng.randint(HID_S, HID_E, size=(NUM_INPUT, FAN_OUT))
    thid = rng.randint(HID_S, N, size=(NUM_HIDDEN, FAN_OUT))
    tout = rng.randint(HID_S, HID_E, size=(NUM_OUTPUT, FAN_OUT))
    targets = jnp.asarray(np.concatenate([tin, thid, tout], axis=0), dtype=jnp.int32)
    return {"input_spikes": input_spikes, "max_timesteps": 16, "weights": weights, "targets": targets}

def _forward(weights, input_spikes, targets, max_timesteps):
    decay_base = jnp.exp(jnp.asarray(-1.0 / TAU, dtype=jnp.float32))
    potentials = jnp.zeros(N, dtype=jnp.float32)
    last_update = jnp.zeros(N, dtype=jnp.int32)
    has_fired = jnp.zeros(N, dtype=bool).at[:NUM_INPUT].set(input_spikes)
    spike_strength = jnp.zeros(N, dtype=jnp.float32).at[:NUM_INPUT].set(input_spikes.astype(jnp.float32) * 2.0)
    output_spike_times = jnp.full((NUM_OUTPUT,), -1, dtype=jnp.int32)
    fire_now = jnp.zeros(N, dtype=bool).at[:NUM_INPUT].set(input_spikes)
    idx = jnp.arange(N)
    flat_t = targets.reshape(-1)
    def body(t, carry):
        potentials, last_update, has_fired, spike_strength, output_spike_times, fire_now = carry
        act_f = fire_now.astype(jnp.float32)
        # synaptic contributions from currently spiking neurons (masked, event-driven)
        flat_c = (spike_strength[:, None] * weights * act_f[:, None]).reshape(-1)
        recv = jnp.zeros(N, dtype=jnp.float32).at[flat_t].add(jnp.broadcast_to(act_f[:, None], (N, FAN_OUT)).reshape(-1))
        recv_mask = recv > 0
        # lazy retroactive decay on neurons that receive spikes
        dt = (t - last_update).astype(jnp.float32)
        decay = jnp.power(decay_base, dt)
        potentials = jnp.where(recv_mask, potentials * decay, potentials)
        last_update = jnp.where(recv_mask, t, last_update)
        potentials = potentials.at[flat_t].add(flat_c)
        # spike with surrogate gradient; refractory via has_fired
        can_spike = (~has_fired).astype(jnp.float32)
        spike_probs = surrogate_spike(potentials) * can_spike
        new_fired = spike_probs > 0.5
        has_fired = has_fired | new_fired
        spike_strength = jnp.where(new_fired, spike_probs, spike_strength)
        out_new = new_fired[OUT_S:]
        output_spike_times = jnp.where((output_spike_times < 0) & out_new, t, output_spike_times)
        # schedule newly fired non-output neurons for t + spike_delay (=1)
        fire_now = new_fired & (idx < OUT_S)
        return (potentials, last_update, has_fired, spike_strength, output_spike_times, fire_now)
    carry = (potentials, last_update, has_fired, spike_strength, output_spike_times, fire_now)
    carry = jax.lax.fori_loop(0, max_timesteps, body, carry)
    potentials, last_update, has_fired, spike_strength, output_spike_times, fire_now = carry
    return output_spike_times, potentials[OUT_S:]

def reference(input_spikes, max_timesteps, weights, targets):
    return _forward(weights, input_spikes, targets, max_timesteps)

if __name__ == "__main__":
    import jax
    _d = setup_inputs()
    print(jax.jit(kernel)(*tuple(_d.values())))

</pallas_src>

<mosaic_0001>
#map = affine_map<(d0, d1) -> (0)>
#map1 = affine_map<(d0, d1) -> (0, 0)>
module attributes {stable_mosaic.version = 14 : i64} {
  func.func @_snn_body(%arg0: i32, %arg1: i32, %arg2: memref<1024xi32, #tpu.memory_space<hbm>>, %arg3: memref<16xi32, #tpu.memory_space<hbm>>, %arg4: memref<50176x32xf32, #tpu.memory_space<hbm>>, %arg5: memref<50176x32xi32, #tpu.memory_space<hbm>>, %arg6: memref<976xi32, #tpu.memory_space<hbm>>, %arg7: memref<976xf32, #tpu.memory_space<hbm>>, %arg8: memref<50176xf32, #tpu.memory_space<vmem_shared>>, %arg9: memref<50176xf32, #tpu.memory_space<vmem_shared>>, %arg10: memref<3136xf32, #tpu.memory_space<vmem>>, %arg11: memref<3136xf32, #tpu.memory_space<vmem>>, %arg12: memref<3136xi32, #tpu.memory_space<vmem>>, %arg13: memref<3136xf32, #tpu.memory_space<vmem>>, %arg14: memref<3136xf32, #tpu.memory_space<vmem>>, %arg15: memref<3136xf32, #tpu.memory_space<vmem>>, %arg16: memref<3152xi32, #tpu.memory_space<vmem>>, %arg17: memref<16x32xf32, #tpu.memory_space<vmem>>, %arg18: memref<16x32xi32, #tpu.memory_space<vmem>>, %arg19: memref<512xf32, #tpu.memory_space<vmem>>, %arg20: memref<512xi32, #tpu.memory_space<vmem>>, %arg21: memref<512xf32, #tpu.memory_space<vmem>>, %arg22: memref<1024xi32, #tpu.memory_space<vmem>>, %arg23: memref<16xi32, #tpu.memory_space<vmem>>) attributes {dimension_semantics = [#tpu.dimension_semantics<core_parallel>, #tpu.dimension_semantics<subcore_parallel>], iteration_bounds = array<i64: 1, 16>, scalar_prefetch = 0 : i64, scratch_operands = 16 : i64, tpu.core_type = #tpu.core_type<sc_vector_subcore>, window_params = [{transform_indices = #map}, {transform_indices = #map}, {transform_indices = #map1}, {transform_indices = #map1}, {transform_indices = #map}, {transform_indices = #map}]} {
    %mul3A = arith.constant 3136 : i32
    %mul3A_0 = arith.muli %arg1, %mul3A : i32
    %iota3A = tpu.iota {dimensions = array<i32: 0>} : vector<16xi32>
    "tpu.region"() ({
      %run_scoped3A = tpu.sem_alloc : memref<!tpu.dma_semaphore, #tpu.memory_space<semaphore_mem>>
      tpu.enqueue_dma source(%arg3 : memref<16xi32, #tpu.memory_space<hbm>>) target(%arg23 : memref<16xi32, #tpu.memory_space<vmem>>) target_semaphore(%run_scoped3A : memref<!tpu.dma_semaphore, #tpu.memory_space<semaphore_mem>>)
      tpu.wait_dma2 semaphore(%run_scoped3A : memref<!tpu.dma_semaphore, #tpu.memory_space<semaphore_mem>>) src(%arg3 : memref<16xi32, #tpu.memory_space<hbm>>) dst(%arg23 : memref<16xi32, #tpu.memory_space<vmem>>)
      tpu.yield
    }) : () -> ()
    %get3A = arith.constant 0 : index
    %get3A_1 = tpu.vector_load %arg23[%get3A] {strides = array<i32>} : memref<16xi32, #tpu.memory_space<vmem>>, vector<16xi32>,
    %reduce_max3A = arith.constant true
    %reduce_max3A_2 = vector.broadcast %reduce_max3A : i1 to vector<16xi1>
    %reduce_max3A_3 = arith.constant -2147483648 : i32
    %reduce_max3A_4 = vector.broadcast %reduce_max3A_3 : i32 to vector<16xi32>
    %reduce_max3A_5 = arith.xori %get3A_1, %reduce_max3A_4 : vector<16xi32>
    %reduce_max3A_6 = tpu.scan <max>, %reduce_max3A_5 masked %reduce_max3A_2 : vector<16xi32>, vector<16xi1> -> vector<16xi32>
    %reduce_max3A_7 = arith.xori %reduce_max3A_6, %reduce_max3A_4 : vector<16xi32>
    %reduce_max3A_8 = vector.extract %reduce_max3A_7[15] : i32 from vector<16xi32>
    "tpu.region"() ({
      %run_scoped3A = tpu.sem_alloc : memref<!tpu.dma_semaphore, #tpu.memory_space<semaphore_mem>>
      tpu.enqueue_dma source(%arg2 : memref<1024xi32, #tpu.memory_space<hbm>>) target(%arg22 : memref<1024xi32, #tpu.memory_space<vmem>>) target_semaphore(%run_scoped3A : memref<!tpu.dma_semaphore, #tpu.memory_space<semaphore_mem>>)
      tpu.wait_dma2 semaphore(%run_scoped3A : memref<!tpu.dma_semaphore, #tpu.memory_space<semaphore_mem>>) src(%arg2 : memref<1024xi32, #tpu.memory_space<hbm>>) dst(%arg22 : memref<1024xi32, #tpu.memory_space<vmem>>)
      tpu.yield
    }) : () -> ()
    %broadcast_in_dim3A = arith.constant 0.000000e+00 : f32
    %broadcast_in_dim3A_9 = vector.broadcast %broadcast_in_dim3A : f32 to vector<16xf32>
    %scan3A = arith.constant 0 : i32
    %scan3A_10 = arith.constant 0 : i32
    %scan3A_11 = arith.constant 196 : i32
    %scan3A_12 = arith.addi %scan3A_10, %scan3A_11 : i32
    %scan3A_13 = arith.constant 1 : i32
    %scan3A_14 = scf.for %scan3A_42 = %scan3A_10 to %scan3A_12 step %scan3A_13 iter_args(%scan3A_43 = %scan3A) -> (i32)  : i32 {
      %mul3A_44 = arith.constant 16 : i32
      %mul3A_45 = arith.muli %scan3A_42, %mul3A_44 : i32
      %swap3A = arith.index_cast %mul3A_45 : i32 to index
      %swap3A_46 = tpu.vector_load %arg10[%swap3A] {strides = array<i32>} : memref<3136xf32, #tpu.memory_space<vmem>>, vector<16xf32>,
      tpu.vector_store %arg10[%swap3A], %broadcast_in_dim3A_9 {strides = array<i32>} : memref<3136xf32, #tpu.memory_space<vmem>>, vector<16xf32>,
      %swap3A_47 = arith.index_cast %mul3A_45 : i32 to index
      %swap3A_48 = tpu.vector_load %arg11[%swap3A_47] {strides = array<i32>} : memref<3136xf32, #tpu.memory_space<vmem>>, vector<16xf32>,
      tpu.vector_store %arg11[%swap3A_47], %broadcast_in_dim3A_9 {strides = array<i32>} : memref<3136xf32, #tpu.memory_space<vmem>>, vector<16xf32>,
      %swap3A_49 = arith.index_cast %mul3A_45 : i32 to index
      %swap3A_50 = tpu.vector_load %arg15[%swap3A_49] {strides = array<i32>} : memref<3136xf32, #tpu.memory_space<vmem>>, vector<16xf32>,
      tpu.vector_store %arg15[%swap3A_49], %broadcast_in_dim3A_9 {strides = array<i32>} : memref<3136xf32, #tpu.memory_space<vmem>>, vector<16xf32>,
      %mul3A_51 = arith.constant 16 : i32
      %mul3A_52 = arith.muli %scan3A_42, %mul3A_51 : i32
      %add3A = arith.addi %mul3A_0, %mul3A_52 : i32
      %add3A_53 = vector.broadcast %add3A : i32 to vector<16xi32>
      %add3A_54 = arith.addi %add3A_53, %iota3A : vector<16xi32>
      %ge3A = arith.constant 50000 : i32
      %ge3A_55 = vector.broadcast %ge3A : i32 to vector<16xi32>
      %ge3A_56 = arith.cmpi sge, %add3A_54, %ge3A_55 : vector<16xi32>
      %jit3A = arith.constant 0 : i32
      %jit3A_57 = arith.constant -1 : i32
      %broadcast_in_dim3A_58 = vector.broadcast %jit3A : i32 to vector<16xi32>
      %broadcast_in_dim3A_59 = vector.broadcast %jit3A_57 : i32 to vector<16xi32>
      %select_n3A = arith.select %ge3A_56, %broadcast_in_dim3A_58, %broadcast_in_dim3A_59 : vector<16xi1>, vector<16xi32>
      %swap3A_60 = arith.index_cast %mul3A_45 : i32 to index
      %swap3A_61 = tpu.vector_load %arg12[%swap3A_60] {strides = array<i32>} : memref<3136xi32, #tpu.memory_space<vmem>>, vector<16xi32>,
      tpu.vector_store %arg12[%swap3A_60], %select_n3A {strides = array<i32>} : memref<3136xi32, #tpu.memory_space<vmem>>, vector<16xi32>,
      %scan3A_62 = arith.constant 0 : i32
      scf.yield %scan3A_62 : i32
    }
    %scan3A_15 = arith.constant 196 : i32
    %scan3A_16 = arith.constant 0 : i32
    %scan3A_17 = arith.constant 0 : i32
    %scan3A_18 = arith.constant 32 : i32
    %scan3A_19 = arith.addi %scan3A_17, %scan3A_18 : i32
    %scan3A_20 = arith.constant 1 : i32
    %scan3A_21 = scf.for %scan3A_42 = %scan3A_17 to %scan3A_19 step %scan3A_20 iter_args(%scan3A_43 = %scan3A_16) -> (i32)  : i32 {
      %broadcast_in_dim3A_44 = arith.constant 1.000000e+00 : f32
      %broadcast_in_dim3A_45 = vector.broadcast %broadcast_in_dim3A_44 : f32 to vector<16xf32>
      %mul3A_46 = arith.constant 16 : i32
      %mul3A_47 = arith.muli %scan3A_42, %mul3A_46 : i32
      %swap3A = arith.index_cast %mul3A_47 : i32 to index
      %swap3A_48 = tpu.vector_load %arg21[%swap3A] {strides = array<i32>} : memref<512xf32, #tpu.memory_space<vmem>>, vector<16xf32>,
      tpu.vector_store %arg21[%swap3A], %broadcast_in_dim3A_45 {strides = array<i32>} : memref<512xf32, #tpu.memory_space<vmem>>, vector<16xf32>,
      %scan3A_49 = arith.constant 0 : i32
      scf.yield %scan3A_49 : i32
    }
    %scan3A_22 = arith.constant 32 : i32
    %scan3A_23 = arith.constant 0 : i32
    %scan3A_24 = arith.constant 0 : i32
    %scan3A_25 = arith.constant 4 : i32
    %scan3A_26 = arith.addi %scan3A_24, %scan3A_25 : i32
    %scan3A_27 = arith.constant 1 : i32
    %scan3A_28 = scf.for %scan3A_42 = %scan3A_24 to %scan3A_26 step %scan3A_27 iter_args(%scan3A_43 = %scan3A_23) -> (i32)  : i32 {
      %mul3A_44 = arith.constant 4 : i32
      %mul3A_45 = arith.muli %arg1, %mul3A_44 : i32
      %add3A = arith.addi %mul3A_45, %scan3A_42 : i32
      %mul3A_46 = arith.constant 16 : i32
      %mul3A_47 = arith.muli %add3A, %mul3A_46 : i32
      %get3A_48 = arith.index_cast %mul3A_47 : i32 to index
      %get3A_49 = tpu.vector_load %arg22[%get3A_48] {strides = array<i32>} : memref<1024xi32, #tpu.memory_space<vmem>>, vector<16xi32>,
      %gt3A = arith.constant 0 : i32
      %gt3A_50 = vector.broadcast %gt3A : i32 to vector<16xi32>
      %gt3A_51 = arith.cmpi sgt, %get3A_49, %gt3A_50 : vector<16xi32>
      %mul3A_52 = arith.constant 16 : i32
      %mul3A_53 = arith.muli %add3A, %mul3A_52 : i32
      %add3A_54 = vector.broadcast %mul3A_53 : i32 to vector<16xi32>
      %add3A_55 = arith.addi %add3A_54, %iota3A : vector<16xi32>
      %swap3A = arith.index_cast %scan3A_43 : i32 to index
      %swap3A_56 = tpu.vector_load %arg16[%swap3A] masked %gt3A_51 {strides = array<i32>} : memref<3152xi32, #tpu.memory_space<vmem>>, vector<16xi32>, vector<16xi1>
      tpu.vector_store %arg16[%swap3A], %add3A_55 masked %gt3A_51 {strides = array<i32>} : memref<3152xi32, #tpu.memory_space<vmem>>, vector<16xi32>, vector<16xi1>
      %all_reduce_population_count3A = tpu.all_reduce %gt3A_51 {dim = 0 : i64, kind = #tpu.reduction_kind<sum>} : vector<16xi1> -> vector<16xi32>
      %reduce_max3A_57 = arith.constant true
      %reduce_max3A_58 = vector.broadcast %reduce_max3A_57 : i1 to vector<16xi1>
      %reduce_max3A_59 = arith.constant -2147483648 : i32
      %reduce_max3A_60 = vector.broadcast %reduce_max3A_59 : i32 to vector<16xi32>
      %reduce_max3A_61 = arith.xori %all_reduce_population_count3A, %reduce_max3A_60 : vector<16xi32>
      %reduce_max3A_62 = tpu.scan <max>, %reduce_max3A_61 masked %reduce_max3A_58 : vector<16xi32>, vector<16xi1> -> vector<16xi32>
      %reduce_max3A_63 = arith.xori %reduce_max3A_62, %reduce_max3A_60 : vector<16xi32>
      %reduce_max3A_64 = vector.extract %reduce_max3A_63[15] : i32 from vector<16xi32>
      %add3A_65 = arith.addi %scan3A_43, %reduce_max3A_64 : i32
      scf.yield %add3A_65 : i32
    }
    %scan3A_29 = arith.constant 4 : i32
    "tpu.region"() ({
      %run_scoped3A = tpu.sem_alloc : memref<!tpu.dma_semaphore, #tpu.memory_space<semaphore_mem>>
      %dma_start3A = tpu.memref_slice %arg8[%mul3A_0] : memref<50176xf32, #tpu.memory_space<vmem_shared>> -> memref<3136xf32, #tpu.memory_space<vmem_shared>>
      %dma_start3A_42 = tpu.memref_slice %arg8[%mul3A_0] : memref<50176xf32, #tpu.memory_space<vmem_shared>> -> memref<3136xf32, #tpu.memory_space<vmem_shared>>
      tpu.enqueue_dma source(%arg15 : memref<3136xf32, #tpu.memory_space<vmem>>) target(%dma_start3A_42 : memref<3136xf32, #tpu.memory_space<vmem_shared>>) target_semaphore(%run_scoped3A : memref<!tpu.dma_semaphore, #tpu.memory_space<semaphore_mem>>)
      %dma_wait3A = tpu.memref_slice %arg8[%mul3A_0] : memref<50176xf32, #tpu.memory_space<vmem_shared>> -> memref<3136xf32, #tpu.memory_space<vmem_shared>>
      %dma_wait3A_43 = tpu.memref_slice %arg8[%mul3A_0] : memref<50176xf32, #tpu.memory_space<vmem_shared>> -> memref<3136xf32, #tpu.memory_space<vmem_shared>>
      tpu.wait_dma2 semaphore(%run_scoped3A : memref<!tpu.dma_semaphore, #tpu.memory_space<semaphore_mem>>) src(%arg15 : memref<3136xf32, #tpu.memory_space<vmem>>) dst(%dma_wait3A_43 : memref<3136xf32, #tpu.memory_space<vmem_shared>>)
      tpu.yield
    }) : () -> ()
    "tpu.region"() ({
      %run_scoped3A = tpu.sem_alloc : memref<!tpu.dma_semaphore, #tpu.memory_space<semaphore_mem>>
      %dma_start3A = tpu.memref_slice %arg9[%mul3A_0] : memref<50176xf32, #tpu.memory_space<vmem_shared>> -> memref<3136xf32, #tpu.memory_space<vmem_shared>>
      %dma_start3A_42 = tpu.memref_slice %arg9[%mul3A_0] : memref<50176xf32, #tpu.memory_space<vmem_shared>> -> memref<3136xf32, #tpu.memory_space<vmem_shared>>
      tpu.enqueue_dma source(%arg15 : memref<3136xf32, #tpu.memory_space<vmem>>) target(%dma_start3A_42 : memref<3136xf32, #tpu.memory_space<vmem_shared>>) target_semaphore(%run_scoped3A : memref<!tpu.dma_semaphore, #tpu.memory_space<semaphore_mem>>)
      %dma_wait3A = tpu.memref_slice %arg9[%mul3A_0] : memref<50176xf32, #tpu.memory_space<vmem_shared>> -> memref<3136xf32, #tpu.memory_space<vmem_shared>>
      %dma_wait3A_43 = tpu.memref_slice %arg9[%mul3A_0] : memref<50176xf32, #tpu.memory_space<vmem_shared>> -> memref<3136xf32, #tpu.memory_space<vmem_shared>>
      tpu.wait_dma2 semaphore(%run_scoped3A : memref<!tpu.dma_semaphore, #tpu.memory_space<semaphore_mem>>) src(%arg15 : memref<3136xf32, #tpu.memory_space<vmem>>) dst(%dma_wait3A_43 : memref<3136xf32, #tpu.memory_space<vmem_shared>>)
      tpu.yield
    }) : () -> ()
    %barrier3A = arith.constant 0 : index
    tpu.barrier barrier_id(%barrier3A)
    %while3A = arith.constant 0 : i32
    %while3A_30 = arith.subi %reduce_max3A_8, %while3A : i32
    %while3A_31 = arith.addi %while3A, %while3A_30 : i32
    %while3A_32 = arith.constant 1 : i32
    %while3A_33 = arith.divsi %while3A_30, %while3A_32 : i32
    %while3A_34 = arith.muli %while3A_33, %while3A_32 : i32
    %while3A_35 = arith.addi %while3A, %while3A_34 : i32
    %while3A_36 = arith.constant 1 : i32
    %while3A_37 = scf.for %while3A_42 = %while3A to %while3A_35 step %while3A_36 iter_args(%while3A_43 = %scan3A_28) -> (i32)  : i32 {
      %broadcast_in_dim3A_44 = arith.constant 50000 : i32
      %broadcast_in_dim3A_45 = vector.broadcast %broadcast_in_dim3A_44 : i32 to vector<16xi32>
      %swap3A = arith.index_cast %while3A_43 : i32 to index
      %swap3A_46 = tpu.vector_load %arg16[%swap3A] {strides = array<i32>} : memref<3152xi32, #tpu.memory_space<vmem>>, vector<16xi32>,
      tpu.vector_store %arg16[%swap3A], %broadcast_in_dim3A_45 {strides = array<i32>} : memref<3152xi32, #tpu.memory_space<vmem>>, vector<16xi32>,
      %add3A = arith.constant 16 : i32
      %add3A_47 = arith.addi %while3A_43, %add3A : i32
      %sub3A = arith.constant 1 : i32
      %sub3A_48 = arith.subi %add3A_47, %sub3A : i32
      %shift_right_arithmetic3A = arith.constant 4 : i32
      %shift_right_arithmetic3A_49 = arith.shrsi %sub3A_48, %shift_right_arithmetic3A : i32
      %while3A_50 = arith.constant 0 : i32
      %while3A_51 = arith.constant 0 : i32
      %while3A_52 = arith.subi %shift_right_arithmetic3A_49, %while3A_50 : i32
      %while3A_53 = arith.addi %while3A_50, %while3A_52 : i32
      %while3A_54 = arith.constant 1 : i32
      %while3A_55 = arith.divsi %while3A_52, %while3A_54 : i32
      %while3A_56 = arith.muli %while3A_55, %while3A_54 : i32
      %while3A_57 = arith.addi %while3A_50, %while3A_56 : i32
      %while3A_58 = arith.constant 1 : i32
      %while3A_59 = scf.for %while3A_75 = %while3A_50 to %while3A_57 step %while3A_58 iter_args(%while3A_76 = %while3A_51) -> (i32)  : i32 {
        %mul3A_77 = arith.constant 16 : i32
        %mul3A_78 = arith.muli %while3A_75, %mul3A_77 : i32
        "tpu.region"() ({
          %run_scoped3A = tpu.sem_alloc : memref<!tpu.dma_semaphore, #tpu.memory_space<semaphore_mem>>
          %dma_start3A = tpu.memref_slice %arg16[%mul3A_78] : memref<3152xi32, #tpu.memory_space<vmem>> -> memref<16xi32, #tpu.memory_space<vmem>>
          %dma_start3A_87 = arith.constant 0 : i32
          %dma_start3A_88 = arith.constant 0 : i32
          %dma_start3A_89 = tpu.memref_slice %arg4[%dma_start3A_87, %dma_start3A_88] : memref<50176x32xf32, #tpu.memory_space<hbm>> -> memref<50176x32xf32, #tpu.memory_space<hbm>>
          tpu.enqueue_indirect_dma source(%dma_start3A_89 : memref<50176x32xf32, #tpu.memory_space<hbm>>) target(%arg17 : memref<16x32xf32, #tpu.memory_space<vmem>>) offsets(%dma_start3A : memref<16xi32, #tpu.memory_space<vmem>>) semaphore(%run_scoped3A : memref<!tpu.dma_semaphore, #tpu.memory_space<semaphore_mem>>)
          %dma_wait3A = tpu.memref_slice %arg16[%mul3A_78] : memref<3152xi32, #tpu.memory_space<vmem>> -> memref<16xi32, #tpu.memory_space<vmem>>
          %dma_wait3A_90 = arith.constant 0 : i32
          %dma_wait3A_91 = arith.constant 0 : i32
          %dma_wait3A_92 = tpu.memref_slice %arg4[%dma_wait3A_90, %dma_wait3A_91] : memref<50176x32xf32, #tpu.memory_space<hbm>> -> memref<50176x32xf32, #tpu.memory_space<hbm>>
          tpu.wait_indirect_dma semaphore(%run_scoped3A : memref<!tpu.dma_semaphore, #tpu.memory_space<semaphore_mem>>) src(%dma_wait3A_92 : memref<50176x32xf32, #tpu.memory_space<hbm>>) dst(%arg17 : memref<16x32xf32, #tpu.memory_space<vmem>>)
          tpu.yield
        }) : () -> ()
        "tpu.region"() ({
          %run_scoped3A = tpu.sem_alloc : memref<!tpu.dma_semaphore, #tpu.memory_space<semaphore_mem>>
          %dma_start3A = tpu.memref_slice %arg16[%mul3A_78] : memref<3152xi32, #tpu.memory_space<vmem>> -> memref<16xi32, #tpu.memory_space<vmem>>
          %dma_start3A_87 = arith.constant 0 : i32
          %dma_start3A_88 = arith.constant 0 : i32
          %dma_start3A_89 = tpu.memref_slice %arg5[%dma_start3A_87, %dma_start3A_88] : memref<50176x32xi32, #tpu.memory_space<hbm>> -> memref<50176x32xi32, #tpu.memory_space<hbm>>
          tpu.enqueue_indirect_dma source(%dma_start3A_89 : memref<50176x32xi32, #tpu.memory_space<hbm>>) target(%arg18 : memref<16x32xi32, #tpu.memory_space<vmem>>) offsets(%dma_start3A : memref<16xi32, #tpu.memory_space<vmem>>) semaphore(%run_scoped3A : memref<!tpu.dma_semaphore, #tpu.memory_space<semaphore_mem>>)
          %dma_wait3A = tpu.memref_slice %arg16[%mul3A_78] : memref<3152xi32, #tpu.memory_space<vmem>> -> memref<16xi32, #tpu.memory_space<vmem>>
          %dma_wait3A_90 = arith.constant 0 : i32
          %dma_wait3A_91 = arith.constant 0 : i32
          %dma_wait3A_92 = tpu.memref_slice %arg5[%dma_wait3A_90, %dma_wait3A_91] : memref<50176x32xi32, #tpu.memory_space<hbm>> -> memref<50176x32xi32, #tpu.memory_space<hbm>>
          tpu.wait_indirect_dma semaphore(%run_scoped3A : memref<!tpu.dma_semaphore, #tpu.memory_space<semaphore_mem>>) src(%dma_wait3A_92 : memref<50176x32xi32, #tpu.memory_space<hbm>>) dst(%arg18 : memref<16x32xi32, #tpu.memory_space<vmem>>)
          tpu.yield
        }) : () -> ()
        %scan3A_79 = arith.constant 0 : i32
        %scan3A_80 = arith.constant 0 : i32
        %scan3A_81 = arith.constant 16 : i32
        %scan3A_82 = arith.addi %scan3A_80, %scan3A_81 : i32
        %scan3A_83 = arith.constant 1 : i32
        %scan3A_84 = scf.for %scan3A_87 = %scan3A_80 to %scan3A_82 step %scan3A_83 iter_args(%scan3A_88 = %scan3A_79) -> (i32)  : i32 {
          %get3A_89 = arith.index_cast %scan3A_87 : i32 to index
          %get3A_90 = arith.constant 0 : index
          %get3A_91 = tpu.vector_load %arg17[%get3A_89, %get3A_90] {strides = array<i32>} : memref<16x32xf32, #tpu.memory_space<vmem>>, vector<16xf32>,
          %mul3A_92 = arith.constant 32 : i32
          %mul3A_93 = arith.muli %scan3A_87, %mul3A_92 : i32
          %swap3A_94 = arith.index_cast %mul3A_93 : i32 to index
          %swap3A_95 = tpu.vector_load %arg19[%swap3A_94] {strides = array<i32>} : memref<512xf32, #tpu.memory_space<vmem>>, vector<16xf32>,
          tpu.vector_store %arg19[%swap3A_94], %get3A_91 {strides = array<i32>} : memref<512xf32, #tpu.memory_space<vmem>>, vector<16xf32>,
          %get3A_96 = arith.index_cast %scan3A_87 : i32 to index
          %get3A_97 = arith.constant 16 : index
          %get3A_98 = tpu.vector_load %arg17[%get3A_96, %get3A_97] {strides = array<i32>} : memref<16x32xf32, #tpu.memory_space<vmem>>, vector<16xf32>,
          %mul3A_99 = arith.constant 32 : i32
          %mul3A_100 = arith.muli %scan3A_87, %mul3A_99 : i32
          %add3A_101 = arith.constant 16 : i32
          %add3A_102 = arith.addi %mul3A_100, %add3A_101 : i32
          %swap3A_103 = arith.index_cast %add3A_102 : i32 to index
          %swap3A_104 = tpu.vector_load %arg19[%swap3A_103] {strides = array<i32>} : memref<512xf32, #tpu.memory_space<vmem>>, vector<16xf32>,
          tpu.vector_store %arg19[%swap3A_103], %get3A_98 {strides = array<i32>} : memref<512xf32, #tpu.memory_space<vmem>>, vector<16xf32>,
          %get3A_105 = arith.index_cast %scan3A_87 : i32 to index
          %get3A_106 = arith.constant 0 : index
          %get3A_107 = tpu.vector_load %arg18[%get3A_105, %get3A_106] {strides = array<i32>} : memref<16x32xi32, #tpu.memory_space<vmem>>, vector<16xi32>,
          %mul3A_108 = arith.constant 32 : i32
          %mul3A_109 = arith.muli %scan3A_87, %mul3A_108 : i32
          %swap3A_110 = arith.index_cast %mul3A_109 : i32 to index
          %swap3A_111 = tpu.vector_load %arg20[%swap3A_110] {strides = array<i32>} : memref<512xi32, #tpu.memory_space<vmem>>, vector<16xi32>,
          tpu.vector_store %arg20[%swap3A_110], %get3A_107 {strides = array<i32>} : memref<512xi32, #tpu.memory_space<vmem>>, vector<16xi32>,
          %get3A_112 = arith.index_cast %scan3A_87 : i32 to index
          %get3A_113 = arith.constant 16 : index
          %get3A_114 = tpu.vector_load %arg18[%get3A_112, %get3A_113] {strides = array<i32>} : memref<16x32xi32, #tpu.memory_space<vmem>>, vector<16xi32>,
          %mul3A_115 = arith.constant 32 : i32
          %mul3A_116 = arith.muli %scan3A_87, %mul3A_115 : i32
          %add3A_117 = arith.constant 16 : i32
          %add3A_118 = arith.addi %mul3A_116, %add3A_117 : i32
          %swap3A_119 = arith.index_cast %add3A_118 : i32 to index
          %swap3A_120 = tpu.vector_load %arg20[%swap3A_119] {strides = array<i32>} : memref<512xi32, #tpu.memory_space<vmem>>, vector<16xi32>,
          tpu.vector_store %arg20[%swap3A_119], %get3A_114 {strides = array<i32>} : memref<512xi32, #tpu.memory_space<vmem>>, vector<16xi32>,
          %scan3A_121 = arith.constant 0 : i32
          scf.yield %scan3A_121 : i32
        }
        %scan3A_85 = arith.constant 16 : i32
        "tpu.region"() ({
          %run_scoped3A = tpu.sem_alloc : memref<!tpu.dma_semaphore, #tpu.memory_space<semaphore_mem>>
          %dma_start3A = arith.constant 0 : i32
          %dma_start3A_87 = tpu.memref_slice %arg8[%dma_start3A] : memref<50176xf32, #tpu.memory_space<vmem_shared>> -> memref<50176xf32, #tpu.memory_space<vmem_shared>>
          tpu.enqueue_indirect_dma source(%arg19 : memref<512xf32, #tpu.memory_space<vmem>>) target(%dma_start3A_87 : memref<50176xf32, #tpu.memory_space<vmem_shared>>) offsets(%arg20 : memref<512xi32, #tpu.memory_space<vmem>>) semaphore(%run_scoped3A : memref<!tpu.dma_semaphore, #tpu.memory_space<semaphore_mem>>) {add = true}
          %dma_wait3A = arith.constant 0 : i32
          %dma_wait3A_88 = tpu.memref_slice %arg8[%dma_wait3A] : memref<50176xf32, #tpu.memory_space<vmem_shared>> -> memref<50176xf32, #tpu.memory_space<vmem_shared>>
          tpu.wait_indirect_dma semaphore(%run_scoped3A : memref<!tpu.dma_semaphore, #tpu.memory_space<semaphore_mem>>) src(%arg19 : memref<512xf32, #tpu.memory_space<vmem>>) dst(%dma_wait3A_88 : memref<50176xf32, #tpu.memory_space<vmem_shared>>)
          tpu.yield
        }) : () -> ()
        "tpu.region"() ({
          %run_scoped3A = tpu.sem_alloc : memref<!tpu.dma_semaphore, #tpu.memory_space<semaphore_mem>>
          %dma_start3A = arith.constant 0 : i32
          %dma_start3A_87 = tpu.memref_slice %arg9[%dma_start3A] : memref<50176xf32, #tpu.memory_space<vmem_shared>> -> memref<50176xf32, #tpu.memory_space<vmem_shared>>
          tpu.enqueue_indirect_dma source(%arg21 : memref<512xf32, #tpu.memory_space<vmem>>) target(%dma_start3A_87 : memref<50176xf32, #tpu.memory_space<vmem_shared>>) offsets(%arg20 : memref<512xi32, #tpu.memory_space<vmem>>) semaphore(%run_scoped3A : memref<!tpu.dma_semaphore, #tpu.memory_space<semaphore_mem>>) {add = true}
          %dma_wait3A = arith.constant 0 : i32
          %dma_wait3A_88 = tpu.memref_slice %arg9[%dma_wait3A] : memref<50176xf32, #tpu.memory_space<vmem_shared>> -> memref<50176xf32, #tpu.memory_space<vmem_shared>>
          tpu.wait_indirect_dma semaphore(%run_scoped3A : memref<!tpu.dma_semaphore, #tpu.memory_space<semaphore_mem>>) src(%arg21 : memref<512xf32, #tpu.memory_space<vmem>>) dst(%dma_wait3A_88 : memref<50176xf32, #tpu.memory_space<vmem_shared>>)
          tpu.yield
        }) : () -> ()
        %while3A_86 = arith.constant 0 : i32
        scf.yield %while3A_86 : i32
      }
      %while3A_60 = arith.constant 1 : i32
      %while3A_61 = scf.for %while3A_75 = %while3A_57 to %while3A_53 step %while3A_60 iter_args(%while3A_76 = %while3A_59) -> (i32)  : i32 {
        %mul3A_77 = arith.constant 16 : i32
        %mul3A_78 = arith.muli %while3A_75, %mul3A_77 : i32
        "tpu.region"() ({
          %run_scoped3A = tpu.sem_alloc : memref<!tpu.dma_semaphore, #tpu.memory_space<semaphore_mem>>
          %dma_start3A = tpu.memref_slice %arg16[%mul3A_78] : memref<3152xi32, #tpu.memory_space<vmem>> -> memref<16xi32, #tpu.memory_space<vmem>>
          %dma_start3A_87 = arith.constant 0 : i32
          %dma_start3A_88 = arith.constant 0 : i32
          %dma_start3A_89 = tpu.memref_slice %arg4[%dma_start3A_87, %dma_start3A_88] : memref<50176x32xf32, #tpu.memory_space<hbm>> -> memref<50176x32xf32, #tpu.memory_space<hbm>>
          tpu.enqueue_indirect_dma source(%dma_start3A_89 : memref<50176x32xf32, #tpu.memory_space<hbm>>) target(%arg17 : memref<16x32xf32, #tpu.memory_space<vmem>>) offsets(%dma_start3A : memref<16xi32, #tpu.memory_space<vmem>>) semaphore(%run_scoped3A : memref<!tpu.dma_semaphore, #tpu.memory_space<semaphore_mem>>)
          %dma_wait3A = tpu.memref_slice %arg16[%mul3A_78] : memref<3152xi32, #tpu.memory_space<vmem>> -> memref<16xi32, #tpu.memory_space<vmem>>
          %dma_wait3A_90 = arith.constant 0 : i32
          %dma_wait3A_91 = arith.constant 0 : i32
          %dma_wait3A_92 = tpu.memref_slice %arg4[%dma_wait3A_90, %dma_wait3A_91] : memref<50176x32xf32, #tpu.memory_space<hbm>> -> memref<50176x32xf32, #tpu.memory_space<hbm>>
          tpu.wait_indirect_dma semaphore(%run_scoped3A : memref<!tpu.dma_semaphore, #tpu.memory_space<semaphore_mem>>) src(%dma_wait3A_92 : memref<50176x32xf32, #tpu.memory_space<hbm>>) dst(%arg17 : memref<16x32xf32, #tpu.memory_space<vmem>>)
          tpu.yield
        }) : () -> ()
        "tpu.region"() ({
          %run_scoped3A = tpu.sem_alloc : memref<!tpu.dma_semaphore, #tpu.memory_space<semaphore_mem>>
          %dma_start3A = tpu.memref_slice %arg16[%mul3A_78] : memref<3152xi32, #tpu.memory_space<vmem>> -> memref<16xi32, #tpu.memory_space<vmem>>
          %dma_start3A_87 = arith.constant 0 : i32
          %dma_start3A_88 = arith.constant 0 : i32
          %dma_start3A_89 = tpu.memref_slice %arg5[%dma_start3A_87, %dma_start3A_88] : memref<50176x32xi32, #tpu.memory_space<hbm>> -> memref<50176x32xi32, #tpu.memory_space<hbm>>
          tpu.enqueue_indirect_dma source(%dma_start3A_89 : memref<50176x32xi32, #tpu.memory_space<hbm>>) target(%arg18 : memref<16x32xi32, #tpu.memory_space<vmem>>) offsets(%dma_start3A : memref<16xi32, #tpu.memory_space<vmem>>) semaphore(%run_scoped3A : memref<!tpu.dma_semaphore, #tpu.memory_space<semaphore_mem>>)
          %dma_wait3A = tpu.memref_slice %arg16[%mul3A_78] : memref<3152xi32, #tpu.memory_space<vmem>> -> memref<16xi32, #tpu.memory_space<vmem>>
          %dma_wait3A_90 = arith.constant 0 : i32
          %dma_wait3A_91 = arith.constant 0 : i32
          %dma_wait3A_92 = tpu.memref_slice %arg5[%dma_wait3A_90, %dma_wait3A_91] : memref<50176x32xi32, #tpu.memory_space<hbm>> -> memref<50176x32xi32, #tpu.memory_space<hbm>>
          tpu.wait_indirect_dma semaphore(%run_scoped3A : memref<!tpu.dma_semaphore, #tpu.memory_space<semaphore_mem>>) src(%dma_wait3A_92 : memref<50176x32xi32, #tpu.memory_space<hbm>>) dst(%arg18 : memref<16x32xi32, #tpu.memory_space<vmem>>)
          tpu.yield
        }) : () -> ()
        %scan3A_79 = arith.constant 0 : i32
        %scan3A_80 = arith.constant 0 : i32
        %scan3A_81 = arith.constant 16 : i32
        %scan3A_82 = arith.addi %scan3A_80, %scan3A_81 : i32
        %scan3A_83 = arith.constant 1 : i32
        %scan3A_84 = scf.for %scan3A_87 = %scan3A_80 to %scan3A_82 step %scan3A_83 iter_args(%scan3A_88 = %scan3A_79) -> (i32)  : i32 {
          %get3A_89 = arith.index_cast %scan3A_87 : i32 to index
          %get3A_90 = arith.constant 0 : index
          %get3A_91 = tpu.vector_load %arg17[%get3A_89, %get3A_90] {strides = array<i32>} : memref<16x32xf32, #tpu.memory_space<vmem>>, vector<16xf32>,
          %mul3A_92 = arith.constant 32 : i32
          %mul3A_93 = arith.muli %scan3A_87, %mul3A_92 : i32
          %swap3A_94 = arith.index_cast %mul3A_93 : i32 to index
          %swap3A_95 = tpu.vector_load %arg19[%swap3A_94] {strides = array<i32>} : memref<512xf32, #tpu.memory_space<vmem>>, vector<16xf32>,
          tpu.vector_store %arg19[%swap3A_94], %get3A_91 {strides = array<i32>} : memref<512xf32, #tpu.memory_space<vmem>>, vector<16xf32>,
          %get3A_96 = arith.index_cast %scan3A_87 : i32 to index
          %get3A_97 = arith.constant 16 : index
          %get3A_98 = tpu.vector_load %arg17[%get3A_96, %get3A_97] {strides = array<i32>} : memref<16x32xf32, #tpu.memory_space<vmem>>, vector<16xf32>,
          %mul3A_99 = arith.constant 32 : i32
          %mul3A_100 = arith.muli %scan3A_87, %mul3A_99 : i32
          %add3A_101 = arith.constant 16 : i32
          %add3A_102 = arith.addi %mul3A_100, %add3A_101 : i32
          %swap3A_103 = arith.index_cast %add3A_102 : i32 to index
          %swap3A_104 = tpu.vector_load %arg19[%swap3A_103] {strides = array<i32>} : memref<512xf32, #tpu.memory_space<vmem>>, vector<16xf32>,
          tpu.vector_store %arg19[%swap3A_103], %get3A_98 {strides = array<i32>} : memref<512xf32, #tpu.memory_space<vmem>>, vector<16xf32>,
          %get3A_105 = arith.index_cast %scan3A_87 : i32 to index
          %get3A_106 = arith.constant 0 : index
          %get3A_107 = tpu.vector_load %arg18[%get3A_105, %get3A_106] {strides = array<i32>} : memref<16x32xi32, #tpu.memory_space<vmem>>, vector<16xi32>,
          %mul3A_108 = arith.constant 32 : i32
          %mul3A_109 = arith.muli %scan3A_87, %mul3A_108 : i32
          %swap3A_110 = arith.index_cast %mul3A_109 : i32 to index
          %swap3A_111 = tpu.vector_load %arg20[%swap3A_110] {strides = array<i32>} : memref<512xi32, #tpu.memory_space<vmem>>, vector<16xi32>,
          tpu.vector_store %arg20[%swap3A_110], %get3A_107 {strides = array<i32>} : memref<512xi32, #tpu.memory_space<vmem>>, vector<16xi32>,
          %get3A_112 = arith.index_cast %scan3A_87 : i32 to index
          %get3A_113 = arith.constant 16 : index
          %get3A_114 = tpu.vector_load %arg18[%get3A_112, %get3A_113] {strides = array<i32>} : memref<16x32xi32, #tpu.memory_space<vmem>>, vector<16xi32>,
          %mul3A_115 = arith.constant 32 : i32
          %mul3A_116 = arith.muli %scan3A_87, %mul3A_115 : i32
          %add3A_117 = arith.constant 16 : i32
          %add3A_118 = arith.addi %mul3A_116, %add3A_117 : i32
          %swap3A_119 = arith.index_cast %add3A_118 : i32 to index
          %swap3A_120 = tpu.vector_load %arg20[%swap3A_119] {strides = array<i32>} : memref<512xi32, #tpu.memory_space<vmem>>, vector<16xi32>,
          tpu.vector_store %arg20[%swap3A_119], %get3A_114 {strides = array<i32>} : memref<512xi32, #tpu.memory_space<vmem>>, vector<16xi32>,
          %scan3A_121 = arith.constant 0 : i32
          scf.yield %scan3A_121 : i32
        }
        %scan3A_85 = arith.constant 16 : i32
        "tpu.region"() ({
          %run_scoped3A = tpu.sem_alloc : memref<!tpu.dma_semaphore, #tpu.memory_space<semaphore_mem>>
          %dma_start3A = arith.constant 0 : i32
          %dma_start3A_87 = tpu.memref_slice %arg8[%dma_start3A] : memref<50176xf32, #tpu.memory_space<vmem_shared>> -> memref<50176xf32, #tpu.memory_space<vmem_shared>>
          tpu.enqueue_indirect_dma source(%arg19 : memref<512xf32, #tpu.memory_space<vmem>>) target(%dma_start3A_87 : memref<50176xf32, #tpu.memory_space<vmem_shared>>) offsets(%arg20 : memref<512xi32, #tpu.memory_space<vmem>>) semaphore(%run_scoped3A : memref<!tpu.dma_semaphore, #tpu.memory_space<semaphore_mem>>) {add = true}
          %dma_wait3A = arith.constant 0 : i32
          %dma_wait3A_88 = tpu.memref_slice %arg8[%dma_wait3A] : memref<50176xf32, #tpu.memory_space<vmem_shared>> -> memref<50176xf32, #tpu.memory_space<vmem_shared>>
          tpu.wait_indirect_dma semaphore(%run_scoped3A : memref<!tpu.dma_semaphore, #tpu.memory_space<semaphore_mem>>) src(%arg19 : memref<512xf32, #tpu.memory_space<vmem>>) dst(%dma_wait3A_88 : memref<50176xf32, #tpu.memory_space<vmem_shared>>)
          tpu.yield
        }) : () -> ()
        "tpu.region"() ({
          %run_scoped3A = tpu.sem_alloc : memref<!tpu.dma_semaphore, #tpu.memory_space<semaphore_mem>>
          %dma_start3A = arith.constant 0 : i32
          %dma_start3A_87 = tpu.memref_slice %arg9[%dma_start3A] : memref<50176xf32, #tpu.memory_space<vmem_shared>> -> memref<50176xf32, #tpu.memory_space<vmem_shared>>
          tpu.enqueue_indirect_dma source(%arg21 : memref<512xf32, #tpu.memory_space<vmem>>) target(%dma_start3A_87 : memref<50176xf32, #tpu.memory_space<vmem_shared>>) offsets(%arg20 : memref<512xi32, #tpu.memory_space<vmem>>) semaphore(%run_scoped3A : memref<!tpu.dma_semaphore, #tpu.memory_space<semaphore_mem>>) {add = true}
          %dma_wait3A = arith.constant 0 : i32
          %dma_wait3A_88 = tpu.memref_slice %arg9[%dma_wait3A] : memref<50176xf32, #tpu.memory_space<vmem_shared>> -> memref<50176xf32, #tpu.memory_space<vmem_shared>>
          tpu.wait_indirect_dma semaphore(%run_scoped3A : memref<!tpu.dma_semaphore, #tpu.memory_space<semaphore_mem>>) src(%arg21 : memref<512xf32, #tpu.memory_space<vmem>>) dst(%dma_wait3A_88 : memref<50176xf32, #tpu.memory_space<vmem_shared>>)
          tpu.yield
        }) : () -> ()
        %while3A_86 = arith.constant 0 : i32
        scf.yield %while3A_86 : i32
      }
      %barrier3A_62 = arith.constant 0 : index
      tpu.barrier barrier_id(%barrier3A_62)
      "tpu.region"() ({
        %run_scoped3A = tpu.sem_alloc : memref<!tpu.dma_semaphore, #tpu.memory_space<semaphore_mem>>
        %dma_start3A = tpu.memref_slice %arg8[%mul3A_0] : memref<50176xf32, #tpu.memory_space<vmem_shared>> -> memref<3136xf32, #tpu.memory_space<vmem_shared>>
        %dma_start3A_75 = tpu.memref_slice %arg8[%mul3A_0] : memref<50176xf32, #tpu.memory_space<vmem_shared>> -> memref<3136xf32, #tpu.memory_space<vmem_shared>>
        tpu.enqueue_dma source(%dma_start3A_75 : memref<3136xf32, #tpu.memory_space<vmem_shared>>) target(%arg13 : memref<3136xf32, #tpu.memory_space<vmem>>) target_semaphore(%run_scoped3A : memref<!tpu.dma_semaphore, #tpu.memory_space<semaphore_mem>>)
        %dma_wait3A = tpu.memref_slice %arg8[%mul3A_0] : memref<50176xf32, #tpu.memory_space<vmem_shared>> -> memref<3136xf32, #tpu.memory_space<vmem_shared>>
        %dma_wait3A_76 = tpu.memref_slice %arg8[%mul3A_0] : memref<50176xf32, #tpu.memory_space<vmem_shared>> -> memref<3136xf32, #tpu.memory_space<vmem_shared>>
        tpu.wait_dma2 semaphore(%run_scoped3A : memref<!tpu.dma_semaphore, #tpu.memory_space<semaphore_mem>>) src(%dma_wait3A_76 : memref<3136xf32, #tpu.memory_space<vmem_shared>>) dst(%arg13 : memref<3136xf32, #tpu.memory_space<vmem>>)
        tpu.yield
      }) : () -> ()
      "tpu.region"() ({
        %run_scoped3A = tpu.sem_alloc : memref<!tpu.dma_semaphore, #tpu.memory_space<semaphore_mem>>
        %dma_start3A = tpu.memref_slice %arg9[%mul3A_0] : memref<50176xf32, #tpu.memory_space<vmem_shared>> -> memref<3136xf32, #tpu.memory_space<vmem_shared>>
        %dma_start3A_75 = tpu.memref_slice %arg9[%mul3A_0] : memref<50176xf32, #tpu.memory_space<vmem_shared>> -> memref<3136xf32, #tpu.memory_space<vmem_shared>>
        tpu.enqueue_dma source(%dma_start3A_75 : memref<3136xf32, #tpu.memory_space<vmem_shared>>) target(%arg14 : memref<3136xf32, #tpu.memory_space<vmem>>) target_semaphore(%run_scoped3A : memref<!tpu.dma_semaphore, #tpu.memory_space<semaphore_mem>>)
        %dma_wait3A = tpu.memref_slice %arg9[%mul3A_0] : memref<50176xf32, #tpu.memory_space<vmem_shared>> -> memref<3136xf32, #tpu.memory_space<vmem_shared>>
        %dma_wait3A_76 = tpu.memref_slice %arg9[%mul3A_0] : memref<50176xf32, #tpu.memory_space<vmem_shared>> -> memref<3136xf32, #tpu.memory_space<vmem_shared>>
        tpu.wait_dma2 semaphore(%run_scoped3A : memref<!tpu.dma_semaphore, #tpu.memory_space<semaphore_mem>>) src(%dma_wait3A_76 : memref<3136xf32, #tpu.memory_space<vmem_shared>>) dst(%arg14 : memref<3136xf32, #tpu.memory_space<vmem>>)
        tpu.yield
      }) : () -> ()
      "tpu.region"() ({
        %run_scoped3A = tpu.sem_alloc : memref<!tpu.dma_semaphore, #tpu.memory_space<semaphore_mem>>
        %dma_start3A = tpu.memref_slice %arg8[%mul3A_0] : memref<50176xf32, #tpu.memory_space<vmem_shared>> -> memref<3136xf32, #tpu.memory_space<vmem_shared>>
        %dma_start3A_75 = tpu.memref_slice %arg8[%mul3A_0] : memref<50176xf32, #tpu.memory_space<vmem_shared>> -> memref<3136xf32, #tpu.memory_space<vmem_shared>>
        tpu.enqueue_dma source(%arg15 : memref<3136xf32, #tpu.memory_space<vmem>>) target(%dma_start3A_75 : memref<3136xf32, #tpu.memory_space<vmem_shared>>) target_semaphore(%run_scoped3A : memref<!tpu.dma_semaphore, #tpu.memory_space<semaphore_mem>>)
        %dma_wait3A = tpu.memref_slice %arg8[%mul3A_0] : memref<50176xf32, #tpu.memory_space<vmem_shared>> -> memref<3136xf32, #tpu.memory_space<vmem_shared>>
        %dma_wait3A_76 = tpu.memref_slice %arg8[%mul3A_0] : memref<50176xf32, #tpu.memory_space<vmem_shared>> -> memref<3136xf32, #tpu.memory_space<vmem_shared>>
        tpu.wait_dma2 semaphore(%run_scoped3A : memref<!tpu.dma_semaphore, #tpu.memory_space<semaphore_mem>>) src(%arg15 : memref<3136xf32, #tpu.memory_space<vmem>>) dst(%dma_wait3A_76 : memref<3136xf32, #tpu.memory_space<vmem_shared>>)
        tpu.yield
      }) : () -> ()
      "tpu.region"() ({
        %run_scoped3A = tpu.sem_alloc : memref<!tpu.dma_semaphore, #tpu.memory_space<semaphore_mem>>
        %dma_start3A = tpu.memref_slice %arg9[%mul3A_0] : memref<50176xf32, #tpu.memory_space<vmem_shared>> -> memref<3136xf32, #tpu.memory_space<vmem_shared>>
        %dma_start3A_75 = tpu.memref_slice %arg9[%mul3A_0] : memref<50176xf32, #tpu.memory_space<vmem_shared>> -> memref<3136xf32, #tpu.memory_space<vmem_shared>>
        tpu.enqueue_dma source(%arg15 : memref<3136xf32, #tpu.memory_space<vmem>>) target(%dma_start3A_75 : memref<3136xf32, #tpu.memory_space<vmem_shared>>) target_semaphore(%run_scoped3A : memref<!tpu.dma_semaphore, #tpu.memory_space<semaphore_mem>>)
        %dma_wait3A = tpu.memref_slice %arg9[%mul3A_0] : memref<50176xf32, #tpu.memory_space<vmem_shared>> -> memref<3136xf32, #tpu.memory_space<vmem_shared>>
        %dma_wait3A_76 = tpu.memref_slice %arg9[%mul3A_0] : memref<50176xf32, #tpu.memory_space<vmem_shared>> -> memref<3136xf32, #tpu.memory_space<vmem_shared>>
        tpu.wait_dma2 semaphore(%run_scoped3A : memref<!tpu.dma_semaphore, #tpu.memory_space<semaphore_mem>>) src(%arg15 : memref<3136xf32, #tpu.memory_space<vmem>>) dst(%dma_wait3A_76 : memref<3136xf32, #tpu.memory_space<vmem_shared>>)
        tpu.yield
      }) : () -> ()
      %eq3A_63 = arith.constant 0 : i32
      %eq3A_64 = arith.cmpi eq, %while3A_42, %eq3A_63 : i32
      %jit3A = arith.constant 2.000000e+00 : f32
      %jit3A_65 = arith.constant 1.000000e+00 : f32
      %select_n3A = arith.select %eq3A_64, %jit3A, %jit3A_65 : f32
      %convert_element_type3A_66 = arith.sitofp %while3A_42 : i32 to f32
      %scan3A_67 = arith.constant 0 : i32
      %scan3A_68 = arith.constant 0 : i32
      %scan3A_69 = arith.constant 196 : i32
      %scan3A_70 = arith.addi %scan3A_68, %scan3A_69 : i32
      %scan3A_71 = arith.constant 1 : i32
      %scan3A_72 = scf.for %scan3A_75 = %scan3A_68 to %scan3A_70 step %scan3A_71 iter_args(%scan3A_76 = %scan3A_67) -> (i32)  : i32 {
        %mul3A_77 = arith.constant 16 : i32
        %mul3A_78 = arith.muli %scan3A_75, %mul3A_77 : i32
        %get3A_79 = arith.index_cast %mul3A_78 : i32 to index
        %get3A_80 = tpu.vector_load %arg14[%get3A_79] {strides = array<i32>} : memref<3136xf32, #tpu.memory_space<vmem>>, vector<16xf32>,
        %gt3A = arith.constant 0.000000e+00 : f32
        %gt3A_81 = vector.broadcast %gt3A : f32 to vector<16xf32>
        %gt3A_82 = arith.cmpf ogt, %get3A_80, %gt3A_81 : vector<16xf32>
        %get3A_83 = arith.index_cast %mul3A_78 : i32 to index
        %get3A_84 = tpu.vector_load %arg10[%get3A_83] {strides = array<i32>} : memref<3136xf32, #tpu.memory_space<vmem>>, vector<16xf32>,
        %get3A_85 = arith.index_cast %mul3A_78 : i32 to index
        %get3A_86 = tpu.vector_load %arg11[%get3A_85] {strides = array<i32>} : memref<3136xf32, #tpu.memory_space<vmem>>, vector<16xf32>,
        %get3A_87 = arith.index_cast %mul3A_78 : i32 to index
        %get3A_88 = tpu.vector_load %arg12[%get3A_87] {strides = array<i32>} : memref<3136xi32, #tpu.memory_space<vmem>>, vector<16xi32>,
        %sub3A_89 = vector.broadcast %convert_element_type3A_66 : f32 to vector<16xf32>
        %sub3A_90 = arith.subf %sub3A_89, %get3A_86 : vector<16xf32>
        %mul3A_91 = arith.constant -5.000000e-02 : f32
        %mul3A_92 = vector.broadcast %mul3A_91 : f32 to vector<16xf32>
        %mul3A_93 = arith.mulf %sub3A_90, %mul3A_92 : vector<16xf32>
        %exp3A = math.exp %mul3A_93 : vector<16xf32>
        %mul3A_94 = arith.mulf %get3A_84, %exp3A : vector<16xf32>
        %get3A_95 = arith.index_cast %mul3A_78 : i32 to index
        %get3A_96 = tpu.vector_load %arg13[%get3A_95] {strides = array<i32>} : memref<3136xf32, #tpu.memory_space<vmem>>, vector<16xf32>,
        %mul3A_97 = vector.broadcast %select_n3A : f32 to vector<16xf32>
        %mul3A_98 = arith.mulf %mul3A_97, %get3A_96 : vector<16xf32>
        %add3A_99 = arith.addf %mul3A_94, %mul3A_98 : vector<16xf32>
        %select_n3A_100 = arith.select %gt3A_82, %add3A_99, %get3A_84 : vector<16xi1>, vector<16xf32>
        %broadcast_in_dim3A_101 = vector.broadcast %convert_element_type3A_66 : f32 to vector<16xf32>
        %select_n3A_102 = arith.select %gt3A_82, %broadcast_in_dim3A_101, %get3A_86 : vector<16xi1>, vector<16xf32>
        %swap3A_103 = arith.index_cast %mul3A_78 : i32 to index
        %swap3A_104 = tpu.vector_load %arg11[%swap3A_103] {strides = array<i32>} : memref<3136xf32, #tpu.memory_space<vmem>>, vector<16xf32>,
        tpu.vector_store %arg11[%swap3A_103], %select_n3A_102 {strides = array<i32>} : memref<3136xf32, #tpu.memory_space<vmem>>, vector<16xf32>,
        %ge3A = arith.constant 3.000000e-01 : f32
        %ge3A_105 = vector.broadcast %ge3A : f32 to vector<16xf32>
        %ge3A_106 = arith.cmpf oge, %select_n3A_100, %ge3A_105 : vector<16xf32>
        %and3A = arith.andi %gt3A_82, %ge3A_106 : vector<16xi1>
        %lt3A = arith.constant 0 : i32
        %lt3A_107 = vector.broadcast %lt3A : i32 to vector<16xi32>
        %lt3A_108 = arith.cmpi slt, %get3A_88, %lt3A_107 : vector<16xi32>
        %and3A_109 = arith.andi %and3A, %lt3A_108 : vector<16xi1>
        %swap3A_110 = arith.index_cast %mul3A_78 : i32 to index
        %swap3A_111 = tpu.vector_load %arg10[%swap3A_110] {strides = array<i32>} : memref<3136xf32, #tpu.memory_space<vmem>>, vector<16xf32>,
        tpu.vector_store %arg10[%swap3A_110], %select_n3A_100 {strides = array<i32>} : memref<3136xf32, #tpu.memory_space<vmem>>, vector<16xf32>,
        %broadcast_in_dim3A_112 = vector.broadcast %while3A_42 : i32 to vector<16xi32>
        %select_n3A_113 = arith.select %and3A_109, %broadcast_in_dim3A_112, %get3A_88 : vector<16xi1>, vector<16xi32>
        %swap3A_114 = arith.index_cast %mul3A_78 : i32 to index
        %swap3A_115 = tpu.vector_load %arg12[%swap3A_114] {strides = array<i32>} : memref<3136xi32, #tpu.memory_space<vmem>>, vector<16xi32>,
        tpu.vector_store %arg12[%swap3A_114], %select_n3A_113 {strides = array<i32>} : memref<3136xi32, #tpu.memory_space<vmem>>, vector<16xi32>,
        %mul3A_116 = arith.constant 16 : i32
        %mul3A_117 = arith.muli %scan3A_75, %mul3A_116 : i32
        %add3A_118 = arith.addi %mul3A_0, %mul3A_117 : i32
        %add3A_119 = vector.broadcast %add3A_118 : i32 to vector<16xi32>
        %add3A_120 = arith.addi %add3A_119, %iota3A : vector<16xi32>
        %lt3A_121 = arith.constant 49024 : i32
        %lt3A_122 = vector.broadcast %lt3A_121 : i32 to vector<16xi32>
        %lt3A_123 = arith.cmpi slt, %add3A_120, %lt3A_122 : vector<16xi32>
        %and3A_124 = arith.andi %and3A_109, %lt3A_123 : vector<16xi1>
        %swap3A_125 = arith.index_cast %scan3A_76 : i32 to index
        %swap3A_126 = tpu.vector_load %arg16[%swap3A_125] masked %and3A_124 {strides = array<i32>} : memref<3152xi32, #tpu.memory_space<vmem>>, vector<16xi32>, vector<16xi1>
        tpu.vector_store %arg16[%swap3A_125], %add3A_120 masked %and3A_124 {strides = array<i32>} : memref<3152xi32, #tpu.memory_space<vmem>>, vector<16xi32>, vector<16xi1>
        %all_reduce_population_count3A = tpu.all_reduce %and3A_124 {dim = 0 : i64, kind = #tpu.reduction_kind<sum>} : vector<16xi1> -> vector<16xi32>
        %reduce_max3A_127 = arith.constant true
        %reduce_max3A_128 = vector.broadcast %reduce_max3A_127 : i1 to vector<16xi1>
        %reduce_max3A_129 = arith.constant -2147483648 : i32
        %reduce_max3A_130 = vector.broadcast %reduce_max3A_129 : i32 to vector<16xi32>
        %reduce_max3A_131 = arith.xori %all_reduce_population_count3A, %reduce_max3A_130 : vector<16xi32>
        %reduce_max3A_132 = tpu.scan <max>, %reduce_max3A_131 masked %reduce_max3A_128 : vector<16xi32>, vector<16xi1> -> vector<16xi32>
        %reduce_max3A_133 = arith.xori %reduce_max3A_132, %reduce_max3A_130 : vector<16xi32>
        %reduce_max3A_134 = vector.extract %reduce_max3A_133[15] : i32 from vector<16xi32>
        %add3A_135 = arith.addi %scan3A_76, %reduce_max3A_134 : i32
        scf.yield %add3A_135 : i32
      }
      %scan3A_73 = arith.constant 196 : i32
      %barrier3A_74 = arith.constant 0 : index
      tpu.barrier barrier_id(%barrier3A_74)
      scf.yield %scan3A_72 : i32
    }
    %while3A_38 = arith.constant 1 : i32
    %while3A_39 = scf.for %while3A_42 = %while3A_35 to %while3A_31 step %while3A_38 iter_args(%while3A_43 = %while3A_37) -> (i32)  : i32 {
      %broadcast_in_dim3A_44 = arith.constant 50000 : i32
      %broadcast_in_dim3A_45 = vector.broadcast %broadcast_in_dim3A_44 : i32 to vector<16xi32>
      %swap3A = arith.index_cast %while3A_43 : i32 to index
      %swap3A_46 = tpu.vector_load %arg16[%swap3A] {strides = array<i32>} : memref<3152xi32, #tpu.memory_space<vmem>>, vector<16xi32>,
      tpu.vector_store %arg16[%swap3A], %broadcast_in_dim3A_45 {strides = array<i32>} : memref<3152xi32, #tpu.memory_space<vmem>>, vector<16xi32>,
      %add3A = arith.constant 16 : i32
      %add3A_47 = arith.addi %while3A_43, %add3A : i32
      %sub3A = arith.constant 1 : i32
      %sub3A_48 = arith.subi %add3A_47, %sub3A : i32
      %shift_right_arithmetic3A = arith.constant 4 : i32
      %shift_right_arithmetic3A_49 = arith.shrsi %sub3A_48, %shift_right_arithmetic3A : i32
      %while3A_50 = arith.constant 0 : i32
      %while3A_51 = arith.constant 0 : i32
      %while3A_52 = arith.subi %shift_right_arithmetic3A_49, %while3A_50 : i32
      %while3A_53 = arith.addi %while3A_50, %while3A_52 : i32
      %while3A_54 = arith.constant 1 : i32
      %while3A_55 = arith.divsi %while3A_52, %while3A_54 : i32
      %while3A_56 = arith.muli %while3A_55, %while3A_54 : i32
      %while3A_57 = arith.addi %while3A_50, %while3A_56 : i32
      %while3A_58 = arith.constant 1 : i32
      %while3A_59 = scf.for %while3A_75 = %while3A_50 to %while3A_57 step %while3A_58 iter_args(%while3A_76 = %while3A_51) -> (i32)  : i32 {
        %mul3A_77 = arith.constant 16 : i32
        %mul3A_78 = arith.muli %while3A_75, %mul3A_77 : i32
        "tpu.region"() ({
          %run_scoped3A = tpu.sem_alloc : memref<!tpu.dma_semaphore, #tpu.memory_space<semaphore_mem>>
          %dma_start3A = tpu.memref_slice %arg16[%mul3A_78] : memref<3152xi32, #tpu.memory_space<vmem>> -> memref<16xi32, #tpu.memory_space<vmem>>
          %dma_start3A_87 = arith.constant 0 : i32
          %dma_start3A_88 = arith.constant 0 : i32
          %dma_start3A_89 = tpu.memref_slice %arg4[%dma_start3A_87, %dma_start3A_88] : memref<50176x32xf32, #tpu.memory_space<hbm>> -> memref<50176x32xf32, #tpu.memory_space<hbm>>
          tpu.enqueue_indirect_dma source(%dma_start3A_89 : memref<50176x32xf32, #tpu.memory_space<hbm>>) target(%arg17 : memref<16x32xf32, #tpu.memory_space<vmem>>) offsets(%dma_start3A : memref<16xi32, #tpu.memory_space<vmem>>) semaphore(%run_scoped3A : memref<!tpu.dma_semaphore, #tpu.memory_space<semaphore_mem>>)
          %dma_wait3A = tpu.memref_slice %arg16[%mul3A_78] : memref<3152xi32, #tpu.memory_space<vmem>> -> memref<16xi32, #tpu.memory_space<vmem>>
          %dma_wait3A_90 = arith.constant 0 : i32
          %dma_wait3A_91 = arith.constant 0 : i32
          %dma_wait3A_92 = tpu.memref_slice %arg4[%dma_wait3A_90, %dma_wait3A_91] : memref<50176x32xf32, #tpu.memory_space<hbm>> -> memref<50176x32xf32, #tpu.memory_space<hbm>>
          tpu.wait_indirect_dma semaphore(%run_scoped3A : memref<!tpu.dma_semaphore, #tpu.memory_space<semaphore_mem>>) src(%dma_wait3A_92 : memref<50176x32xf32, #tpu.memory_space<hbm>>) dst(%arg17 : memref<16x32xf32, #tpu.memory_space<vmem>>)
          tpu.yield
        }) : () -> ()
        "tpu.region"() ({
          %run_scoped3A = tpu.sem_alloc : memref<!tpu.dma_semaphore, #tpu.memory_space<semaphore_mem>>
          %dma_start3A = tpu.memref_slice %arg16[%mul3A_78] : memref<3152xi32, #tpu.memory_space<vmem>> -> memref<16xi32, #tpu.memory_space<vmem>>
          %dma_start3A_87 = arith.constant 0 : i32
          %dma_start3A_88 = arith.constant 0 : i32
          %dma_start3A_89 = tpu.memref_slice %arg5[%dma_start3A_87, %dma_start3A_88] : memref<50176x32xi32, #tpu.memory_space<hbm>> -> memref<50176x32xi32, #tpu.memory_space<hbm>>
          tpu.enqueue_indirect_dma source(%dma_start3A_89 : memref<50176x32xi32, #tpu.memory_space<hbm>>) target(%arg18 : memref<16x32xi32, #tpu.memory_space<vmem>>) offsets(%dma_start3A : memref<16xi32, #tpu.memory_space<vmem>>) semaphore(%run_scoped3A : memref<!tpu.dma_semaphore, #tpu.memory_space<semaphore_mem>>)
          %dma_wait3A = tpu.memref_slice %arg16[%mul3A_78] : memref<3152xi32, #tpu.memory_space<vmem>> -> memref<16xi32, #tpu.memory_space<vmem>>
          %dma_wait3A_90 = arith.constant 0 : i32
          %dma_wait3A_91 = arith.constant 0 : i32
          %dma_wait3A_92 = tpu.memref_slice %arg5[%dma_wait3A_90, %dma_wait3A_91] : memref<50176x32xi32, #tpu.memory_space<hbm>> -> memref<50176x32xi32, #tpu.memory_space<hbm>>
          tpu.wait_indirect_dma semaphore(%run_scoped3A : memref<!tpu.dma_semaphore, #tpu.memory_space<semaphore_mem>>) src(%dma_wait3A_92 : memref<50176x32xi32, #tpu.memory_space<hbm>>) dst(%arg18 : memref<16x32xi32, #tpu.memory_space<vmem>>)
          tpu.yield
        }) : () -> ()
        %scan3A_79 = arith.constant 0 : i32
        %scan3A_80 = arith.constant 0 : i32
        %scan3A_81 = arith.constant 16 : i32
        %scan3A_82 = arith.addi %scan3A_80, %scan3A_81 : i32
        %scan3A_83 = arith.constant 1 : i32
        %scan3A_84 = scf.for %scan3A_87 = %scan3A_80 to %scan3A_82 step %scan3A_83 iter_args(%scan3A_88 = %scan3A_79) -> (i32)  : i32 {
          %get3A_89 = arith.index_cast %scan3A_87 : i32 to index
          %get3A_90 = arith.constant 0 : index
          %get3A_91 = tpu.vector_load %arg17[%get3A_89, %get3A_90] {strides = array<i32>} : memref<16x32xf32, #tpu.memory_space<vmem>>, vector<16xf32>,
          %mul3A_92 = arith.constant 32 : i32
          %mul3A_93 = arith.muli %scan3A_87, %mul3A_92 : i32
          %swap3A_94 = arith.index_cast %mul3A_93 : i32 to index
          %swap3A_95 = tpu.vector_load %arg19[%swap3A_94] {strides = array<i32>} : memref<512xf32, #tpu.memory_space<vmem>>, vector<16xf32>,
          tpu.vector_store %arg19[%swap3A_94], %get3A_91 {strides = array<i32>} : memref<512xf32, #tpu.memory_space<vmem>>, vector<16xf32>,
          %get3A_96 = arith.index_cast %scan3A_87 : i32 to index
          %get3A_97 = arith.constant 16 : index
          %get3A_98 = tpu.vector_load %arg17[%get3A_96, %get3A_97] {strides = array<i32>} : memref<16x32xf32, #tpu.memory_space<vmem>>, vector<16xf32>,
          %mul3A_99 = arith.constant 32 : i32
          %mul3A_100 = arith.muli %scan3A_87, %mul3A_99 : i32
          %add3A_101 = arith.constant 16 : i32
          %add3A_102 = arith.addi %mul3A_100, %add3A_101 : i32
          %swap3A_103 = arith.index_cast %add3A_102 : i32 to index
          %swap3A_104 = tpu.vector_load %arg19[%swap3A_103] {strides = array<i32>} : memref<512xf32, #tpu.memory_space<vmem>>, vector<16xf32>,
          tpu.vector_store %arg19[%swap3A_103], %get3A_98 {strides = array<i32>} : memref<512xf32, #tpu.memory_space<vmem>>, vector<16xf32>,
          %get3A_105 = arith.index_cast %scan3A_87 : i32 to index
          %get3A_106 = arith.constant 0 : index
          %get3A_107 = tpu.vector_load %arg18[%get3A_105, %get3A_106] {strides = array<i32>} : memref<16x32xi32, #tpu.memory_space<vmem>>, vector<16xi32>,
          %mul3A_108 = arith.constant 32 : i32
          %mul3A_109 = arith.muli %scan3A_87, %mul3A_108 : i32
          %swap3A_110 = arith.index_cast %mul3A_109 : i32 to index
          %swap3A_111 = tpu.vector_load %arg20[%swap3A_110] {strides = array<i32>} : memref<512xi32, #tpu.memory_space<vmem>>, vector<16xi32>,
          tpu.vector_store %arg20[%swap3A_110], %get3A_107 {strides = array<i32>} : memref<512xi32, #tpu.memory_space<vmem>>, vector<16xi32>,
          %get3A_112 = arith.index_cast %scan3A_87 : i32 to index
          %get3A_113 = arith.constant 16 : index
          %get3A_114 = tpu.vector_load %arg18[%get3A_112, %get3A_113] {strides = array<i32>} : memref<16x32xi32, #tpu.memory_space<vmem>>, vector<16xi32>,
          %mul3A_115 = arith.constant 32 : i32
          %mul3A_116 = arith.muli %scan3A_87, %mul3A_115 : i32
          %add3A_117 = arith.constant 16 : i32
          %add3A_118 = arith.addi %mul3A_116, %add3A_117 : i32
          %swap3A_119 = arith.index_cast %add3A_118 : i32 to index
          %swap3A_120 = tpu.vector_load %arg20[%swap3A_119] {strides = array<i32>} : memref<512xi32, #tpu.memory_space<vmem>>, vector<16xi32>,
          tpu.vector_store %arg20[%swap3A_119], %get3A_114 {strides = array<i32>} : memref<512xi32, #tpu.memory_space<vmem>>, vector<16xi32>,
          %scan3A_121 = arith.constant 0 : i32
          scf.yield %scan3A_121 : i32
        }
        %scan3A_85 = arith.constant 16 : i32
        "tpu.region"() ({
          %run_scoped3A = tpu.sem_alloc : memref<!tpu.dma_semaphore, #tpu.memory_space<semaphore_mem>>
          %dma_start3A = arith.constant 0 : i32
          %dma_start3A_87 = tpu.memref_slice %arg8[%dma_start3A] : memref<50176xf32, #tpu.memory_space<vmem_shared>> -> memref<50176xf32, #tpu.memory_space<vmem_shared>>
          tpu.enqueue_indirect_dma source(%arg19 : memref<512xf32, #tpu.memory_space<vmem>>) target(%dma_start3A_87 : memref<50176xf32, #tpu.memory_space<vmem_shared>>) offsets(%arg20 : memref<512xi32, #tpu.memory_space<vmem>>) semaphore(%run_scoped3A : memref<!tpu.dma_semaphore, #tpu.memory_space<semaphore_mem>>) {add = true}
          %dma_wait3A = arith.constant 0 : i32
          %dma_wait3A_88 = tpu.memref_slice %arg8[%dma_wait3A] : memref<50176xf32, #tpu.memory_space<vmem_shared>> -> memref<50176xf32, #tpu.memory_space<vmem_shared>>
          tpu.wait_indirect_dma semaphore(%run_scoped3A : memref<!tpu.dma_semaphore, #tpu.memory_space<semaphore_mem>>) src(%arg19 : memref<512xf32, #tpu.memory_space<vmem>>) dst(%dma_wait3A_88 : memref<50176xf32, #tpu.memory_space<vmem_shared>>)
          tpu.yield
        }) : () -> ()
        "tpu.region"() ({
          %run_scoped3A = tpu.sem_alloc : memref<!tpu.dma_semaphore, #tpu.memory_space<semaphore_mem>>
          %dma_start3A = arith.constant 0 : i32
          %dma_start3A_87 = tpu.memref_slice %arg9[%dma_start3A] : memref<50176xf32, #tpu.memory_space<vmem_shared>> -> memref<50176xf32, #tpu.memory_space<vmem_shared>>
          tpu.enqueue_indirect_dma source(%arg21 : memref<512xf32, #tpu.memory_space<vmem>>) target(%dma_start3A_87 : memref<50176xf32, #tpu.memory_space<vmem_shared>>) offsets(%arg20 : memref<512xi32, #tpu.memory_space<vmem>>) semaphore(%run_scoped3A : memref<!tpu.dma_semaphore, #tpu.memory_space<semaphore_mem>>) {add = true}
          %dma_wait3A = arith.constant 0 : i32
          %dma_wait3A_88 = tpu.memref_slice %arg9[%dma_wait3A] : memref<50176xf32, #tpu.memory_space<vmem_shared>> -> memref<50176xf32, #tpu.memory_space<vmem_shared>>
          tpu.wait_indirect_dma semaphore(%run_scoped3A : memref<!tpu.dma_semaphore, #tpu.memory_space<semaphore_mem>>) src(%arg21 : memref<512xf32, #tpu.memory_space<vmem>>) dst(%dma_wait3A_88 : memref<50176xf32, #tpu.memory_space<vmem_shared>>)
          tpu.yield
        }) : () -> ()
        %while3A_86 = arith.constant 0 : i32
        scf.yield %while3A_86 : i32
      }
      %while3A_60 = arith.constant 1 : i32
      %while3A_61 = scf.for %while3A_75 = %while3A_57 to %while3A_53 step %while3A_60 iter_args(%while3A_76 = %while3A_59) -> (i32)  : i32 {
        %mul3A_77 = arith.constant 16 : i32
        %mul3A_78 = arith.muli %while3A_75, %mul3A_77 : i32
        "tpu.region"() ({
          %run_scoped3A = tpu.sem_alloc : memref<!tpu.dma_semaphore, #tpu.memory_space<semaphore_mem>>
          %dma_start3A = tpu.memref_slice %arg16[%mul3A_78] : memref<3152xi32, #tpu.memory_space<vmem>> -> memref<16xi32, #tpu.memory_space<vmem>>
          %dma_start3A_87 = arith.constant 0 : i32
          %dma_start3A_88 = arith.constant 0 : i32
          %dma_start3A_89 = tpu.memref_slice %arg4[%dma_start3A_87, %dma_start3A_88] : memref<50176x32xf32, #tpu.memory_space<hbm>> -> memref<50176x32xf32, #tpu.memory_space<hbm>>
          tpu.enqueue_indirect_dma source(%dma_start3A_89 : memref<50176x32xf32, #tpu.memory_space<hbm>>) target(%arg17 : memref<16x32xf32, #tpu.memory_space<vmem>>) offsets(%dma_start3A : memref<16xi32, #tpu.memory_space<vmem>>) semaphore(%run_scoped3A : memref<!tpu.dma_semaphore, #tpu.memory_space<semaphore_mem>>)
          %dma_wait3A = tpu.memref_slice %arg16[%mul3A_78] : memref<3152xi32, #tpu.memory_space<vmem>> -> memref<16xi32, #tpu.memory_space<vmem>>
          %dma_wait3A_90 = arith.constant 0 : i32
          %dma_wait3A_91 = arith.constant 0 : i32
          %dma_wait3A_92 = tpu.memref_slice %arg4[%dma_wait3A_90, %dma_wait3A_91] : memref<50176x32xf32, #tpu.memory_space<hbm>> -> memref<50176x32xf32, #tpu.memory_space<hbm>>
          tpu.wait_indirect_dma semaphore(%run_scoped3A : memref<!tpu.dma_semaphore, #tpu.memory_space<semaphore_mem>>) src(%dma_wait3A_92 : memref<50176x32xf32, #tpu.memory_space<hbm>>) dst(%arg17 : memref<16x32xf32, #tpu.memory_space<vmem>>)
          tpu.yield
        }) : () -> ()
        "tpu.region"() ({
          %run_scoped3A = tpu.sem_alloc : memref<!tpu.dma_semaphore, #tpu.memory_space<semaphore_mem>>
          %dma_start3A = tpu.memref_slice %arg16[%mul3A_78] : memref<3152xi32, #tpu.memory_space<vmem>> -> memref<16xi32, #tpu.memory_space<vmem>>
          %dma_start3A_87 = arith.constant 0 : i32
          %dma_start3A_88 = arith.constant 0 : i32
          %dma_start3A_89 = tpu.memref_slice %arg5[%dma_start3A_87, %dma_start3A_88] : memref<50176x32xi32, #tpu.memory_space<hbm>> -> memref<50176x32xi32, #tpu.memory_space<hbm>>
          tpu.enqueue_indirect_dma source(%dma_start3A_89 : memref<50176x32xi32, #tpu.memory_space<hbm>>) target(%arg18 : memref<16x32xi32, #tpu.memory_space<vmem>>) offsets(%dma_start3A : memref<16xi32, #tpu.memory_space<vmem>>) semaphore(%run_scoped3A : memref<!tpu.dma_semaphore, #tpu.memory_space<semaphore_mem>>)
          %dma_wait3A = tpu.memref_slice %arg16[%mul3A_78] : memref<3152xi32, #tpu.memory_space<vmem>> -> memref<16xi32, #tpu.memory_space<vmem>>
          %dma_wait3A_90 = arith.constant 0 : i32
          %dma_wait3A_91 = arith.constant 0 : i32
          %dma_wait3A_92 = tpu.memref_slice %arg5[%dma_wait3A_90, %dma_wait3A_91] : memref<50176x32xi32, #tpu.memory_space<hbm>> -> memref<50176x32xi32, #tpu.memory_space<hbm>>
          tpu.wait_indirect_dma semaphore(%run_scoped3A : memref<!tpu.dma_semaphore, #tpu.memory_space<semaphore_mem>>) src(%dma_wait3A_92 : memref<50176x32xi32, #tpu.memory_space<hbm>>) dst(%arg18 : memref<16x32xi32, #tpu.memory_space<vmem>>)
          tpu.yield
        }) : () -> ()
        %scan3A_79 = arith.constant 0 : i32
        %scan3A_80 = arith.constant 0 : i32
        %scan3A_81 = arith.constant 16 : i32
        %scan3A_82 = arith.addi %scan3A_80, %scan3A_81 : i32
        %scan3A_83 = arith.constant 1 : i32
        %scan3A_84 = scf.for %scan3A_87 = %scan3A_80 to %scan3A_82 step %scan3A_83 iter_args(%scan3A_88 = %scan3A_79) -> (i32)  : i32 {
          %get3A_89 = arith.index_cast %scan3A_87 : i32 to index
          %get3A_90 = arith.constant 0 : index
          %get3A_91 = tpu.vector_load %arg17[%get3A_89, %get3A_90] {strides = array<i32>} : memref<16x32xf32, #tpu.memory_space<vmem>>, vector<16xf32>,
          %mul3A_92 = arith.constant 32 : i32
          %mul3A_93 = arith.muli %scan3A_87, %mul3A_92 : i32
          %swap3A_94 = arith.index_cast %mul3A_93 : i32 to index
          %swap3A_95 = tpu.vector_load %arg19[%swap3A_94] {strides = array<i32>} : memref<512xf32, #tpu.memory_space<vmem>>, vector<16xf32>,
          tpu.vector_store %arg19[%swap3A_94], %get3A_91 {strides = array<i32>} : memref<512xf32, #tpu.memory_space<vmem>>, vector<16xf32>,
          %get3A_96 = arith.index_cast %scan3A_87 : i32 to index
          %get3A_97 = arith.constant 16 : index
          %get3A_98 = tpu.vector_load %arg17[%get3A_96, %get3A_97] {strides = array<i32>} : memref<16x32xf32, #tpu.memory_space<vmem>>, vector<16xf32>,
          %mul3A_99 = arith.constant 32 : i32
          %mul3A_100 = arith.muli %scan3A_87, %mul3A_99 : i32
          %add3A_101 = arith.constant 16 : i32
          %add3A_102 = arith.addi %mul3A_100, %add3A_101 : i32
          %swap3A_103 = arith.index_cast %add3A_102 : i32 to index
          %swap3A_104 = tpu.vector_load %arg19[%swap3A_103] {strides = array<i32>} : memref<512xf32, #tpu.memory_space<vmem>>, vector<16xf32>,
          tpu.vector_store %arg19[%swap3A_103], %get3A_98 {strides = array<i32>} : memref<512xf32, #tpu.memory_space<vmem>>, vector<16xf32>,
          %get3A_105 = arith.index_cast %scan3A_87 : i32 to index
          %get3A_106 = arith.constant 0 : index
          %get3A_107 = tpu.vector_load %arg18[%get3A_105, %get3A_106] {strides = array<i32>} : memref<16x32xi32, #tpu.memory_space<vmem>>, vector<16xi32>,
          %mul3A_108 = arith.constant 32 : i32
          %mul3A_109 = arith.muli %scan3A_87, %mul3A_108 : i32
          %swap3A_110 = arith.index_cast %mul3A_109 : i32 to index
          %swap3A_111 = tpu.vector_load %arg20[%swap3A_110] {strides = array<i32>} : memref<512xi32, #tpu.memory_space<vmem>>, vector<16xi32>,
          tpu.vector_store %arg20[%swap3A_110], %get3A_107 {strides = array<i32>} : memref<512xi32, #tpu.memory_space<vmem>>, vector<16xi32>,
          %get3A_112 = arith.index_cast %scan3A_87 : i32 to index
          %get3A_113 = arith.constant 16 : index
          %get3A_114 = tpu.vector_load %arg18[%get3A_112, %get3A_113] {strides = array<i32>} : memref<16x32xi32, #tpu.memory_space<vmem>>, vector<16xi32>,
          %mul3A_115 = arith.constant 32 : i32
          %mul3A_116 = arith.muli %scan3A_87, %mul3A_115 : i32
          %add3A_117 = arith.constant 16 : i32
          %add3A_118 = arith.addi %mul3A_116, %add3A_117 : i32
          %swap3A_119 = arith.index_cast %add3A_118 : i32 to index
          %swap3A_120 = tpu.vector_load %arg20[%swap3A_119] {strides = array<i32>} : memref<512xi32, #tpu.memory_space<vmem>>, vector<16xi32>,
          tpu.vector_store %arg20[%swap3A_119], %get3A_114 {strides = array<i32>} : memref<512xi32, #tpu.memory_space<vmem>>, vector<16xi32>,
          %scan3A_121 = arith.constant 0 : i32
          scf.yield %scan3A_121 : i32
        }
        %scan3A_85 = arith.constant 16 : i32
        "tpu.region"() ({
          %run_scoped3A = tpu.sem_alloc : memref<!tpu.dma_semaphore, #tpu.memory_space<semaphore_mem>>
          %dma_start3A = arith.constant 0 : i32
          %dma_start3A_87 = tpu.memref_slice %arg8[%dma_start3A] : memref<50176xf32, #tpu.memory_space<vmem_shared>> -> memref<50176xf32, #tpu.memory_space<vmem_shared>>
          tpu.enqueue_indirect_dma source(%arg19 : memref<512xf32, #tpu.memory_space<vmem>>) target(%dma_start3A_87 : memref<50176xf32, #tpu.memory_space<vmem_shared>>) offsets(%arg20 : memref<512xi32, #tpu.memory_space<vmem>>) semaphore(%run_scoped3A : memref<!tpu.dma_semaphore, #tpu.memory_space<semaphore_mem>>) {add = true}
          %dma_wait3A = arith.constant 0 : i32
          %dma_wait3A_88 = tpu.memref_slice %arg8[%dma_wait3A] : memref<50176xf32, #tpu.memory_space<vmem_shared>> -> memref<50176xf32, #tpu.memory_space<vmem_shared>>
          tpu.wait_indirect_dma semaphore(%run_scoped3A : memref<!tpu.dma_semaphore, #tpu.memory_space<semaphore_mem>>) src(%arg19 : memref<512xf32, #tpu.memory_space<vmem>>) dst(%dma_wait3A_88 : memref<50176xf32, #tpu.memory_space<vmem_shared>>)
          tpu.yield
        }) : () -> ()
        "tpu.region"() ({
          %run_scoped3A = tpu.sem_alloc : memref<!tpu.dma_semaphore, #tpu.memory_space<semaphore_mem>>
          %dma_start3A = arith.constant 0 : i32
          %dma_start3A_87 = tpu.memref_slice %arg9[%dma_start3A] : memref<50176xf32, #tpu.memory_space<vmem_shared>> -> memref<50176xf32, #tpu.memory_space<vmem_shared>>
          tpu.enqueue_indirect_dma source(%arg21 : memref<512xf32, #tpu.memory_space<vmem>>) target(%dma_start3A_87 : memref<50176xf32, #tpu.memory_space<vmem_shared>>) offsets(%arg20 : memref<512xi32, #tpu.memory_space<vmem>>) semaphore(%run_scoped3A : memref<!tpu.dma_semaphore, #tpu.memory_space<semaphore_mem>>) {add = true}
          %dma_wait3A = arith.constant 0 : i32
          %dma_wait3A_88 = tpu.memref_slice %arg9[%dma_wait3A] : memref<50176xf32, #tpu.memory_space<vmem_shared>> -> memref<50176xf32, #tpu.memory_space<vmem_shared>>
          tpu.wait_indirect_dma semaphore(%run_scoped3A : memref<!tpu.dma_semaphore, #tpu.memory_space<semaphore_mem>>) src(%arg21 : memref<512xf32, #tpu.memory_space<vmem>>) dst(%dma_wait3A_88 : memref<50176xf32, #tpu.memory_space<vmem_shared>>)
          tpu.yield
        }) : () -> ()
        %while3A_86 = arith.constant 0 : i32
        scf.yield %while3A_86 : i32
      }
      %barrier3A_62 = arith.constant 0 : index
      tpu.barrier barrier_id(%barrier3A_62)
      "tpu.region"() ({
        %run_scoped3A = tpu.sem_alloc : memref<!tpu.dma_semaphore, #tpu.memory_space<semaphore_mem>>
        %dma_start3A = tpu.memref_slice %arg8[%mul3A_0] : memref<50176xf32, #tpu.memory_space<vmem_shared>> -> memref<3136xf32, #tpu.memory_space<vmem_shared>>
        %dma_start3A_75 = tpu.memref_slice %arg8[%mul3A_0] : memref<50176xf32, #tpu.memory_space<vmem_shared>> -> memref<3136xf32, #tpu.memory_space<vmem_shared>>
        tpu.enqueue_dma source(%dma_start3A_75 : memref<3136xf32, #tpu.memory_space<vmem_shared>>) target(%arg13 : memref<3136xf32, #tpu.memory_space<vmem>>) target_semaphore(%run_scoped3A : memref<!tpu.dma_semaphore, #tpu.memory_space<semaphore_mem>>)
        %dma_wait3A = tpu.memref_slice %arg8[%mul3A_0] : memref<50176xf32, #tpu.memory_space<vmem_shared>> -> memref<3136xf32, #tpu.memory_space<vmem_shared>>
        %dma_wait3A_76 = tpu.memref_slice %arg8[%mul3A_0] : memref<50176xf32, #tpu.memory_space<vmem_shared>> -> memref<3136xf32, #tpu.memory_space<vmem_shared>>
        tpu.wait_dma2 semaphore(%run_scoped3A : memref<!tpu.dma_semaphore, #tpu.memory_space<semaphore_mem>>) src(%dma_wait3A_76 : memref<3136xf32, #tpu.memory_space<vmem_shared>>) dst(%arg13 : memref<3136xf32, #tpu.memory_space<vmem>>)
        tpu.yield
      }) : () -> ()
      "tpu.region"() ({
        %run_scoped3A = tpu.sem_alloc : memref<!tpu.dma_semaphore, #tpu.memory_space<semaphore_mem>>
        %dma_start3A = tpu.memref_slice %arg9[%mul3A_0] : memref<50176xf32, #tpu.memory_space<vmem_shared>> -> memref<3136xf32, #tpu.memory_space<vmem_shared>>
        %dma_start3A_75 = tpu.memref_slice %arg9[%mul3A_0] : memref<50176xf32, #tpu.memory_space<vmem_shared>> -> memref<3136xf32, #tpu.memory_space<vmem_shared>>
        tpu.enqueue_dma source(%dma_start3A_75 : memref<3136xf32, #tpu.memory_space<vmem_shared>>) target(%arg14 : memref<3136xf32, #tpu.memory_space<vmem>>) target_semaphore(%run_scoped3A : memref<!tpu.dma_semaphore, #tpu.memory_space<semaphore_mem>>)
        %dma_wait3A = tpu.memref_slice %arg9[%mul3A_0] : memref<50176xf32, #tpu.memory_space<vmem_shared>> -> memref<3136xf32, #tpu.memory_space<vmem_shared>>
        %dma_wait3A_76 = tpu.memref_slice %arg9[%mul3A_0] : memref<50176xf32, #tpu.memory_space<vmem_shared>> -> memref<3136xf32, #tpu.memory_space<vmem_shared>>
        tpu.wait_dma2 semaphore(%run_scoped3A : memref<!tpu.dma_semaphore, #tpu.memory_space<semaphore_mem>>) src(%dma_wait3A_76 : memref<3136xf32, #tpu.memory_space<vmem_shared>>) dst(%arg14 : memref<3136xf32, #tpu.memory_space<vmem>>)
        tpu.yield
      }) : () -> ()
      "tpu.region"() ({
        %run_scoped3A = tpu.sem_alloc : memref<!tpu.dma_semaphore, #tpu.memory_space<semaphore_mem>>
        %dma_start3A = tpu.memref_slice %arg8[%mul3A_0] : memref<50176xf32, #tpu.memory_space<vmem_shared>> -> memref<3136xf32, #tpu.memory_space<vmem_shared>>
        %dma_start3A_75 = tpu.memref_slice %arg8[%mul3A_0] : memref<50176xf32, #tpu.memory_space<vmem_shared>> -> memref<3136xf32, #tpu.memory_space<vmem_shared>>
        tpu.enqueue_dma source(%arg15 : memref<3136xf32, #tpu.memory_space<vmem>>) target(%dma_start3A_75 : memref<3136xf32, #tpu.memory_space<vmem_shared>>) target_semaphore(%run_scoped3A : memref<!tpu.dma_semaphore, #tpu.memory_space<semaphore_mem>>)
        %dma_wait3A = tpu.memref_slice %arg8[%mul3A_0] : memref<50176xf32, #tpu.memory_space<vmem_shared>> -> memref<3136xf32, #tpu.memory_space<vmem_shared>>
        %dma_wait3A_76 = tpu.memref_slice %arg8[%mul3A_0] : memref<50176xf32, #tpu.memory_space<vmem_shared>> -> memref<3136xf32, #tpu.memory_space<vmem_shared>>
        tpu.wait_dma2 semaphore(%run_scoped3A : memref<!tpu.dma_semaphore, #tpu.memory_space<semaphore_mem>>) src(%arg15 : memref<3136xf32, #tpu.memory_space<vmem>>) dst(%dma_wait3A_76 : memref<3136xf32, #tpu.memory_space<vmem_shared>>)
        tpu.yield
      }) : () -> ()
      "tpu.region"() ({
        %run_scoped3A = tpu.sem_alloc : memref<!tpu.dma_semaphore, #tpu.memory_space<semaphore_mem>>
        %dma_start3A = tpu.memref_slice %arg9[%mul3A_0] : memref<50176xf32, #tpu.memory_space<vmem_shared>> -> memref<3136xf32, #tpu.memory_space<vmem_shared>>
        %dma_start3A_75 = tpu.memref_slice %arg9[%mul3A_0] : memref<50176xf32, #tpu.memory_space<vmem_shared>> -> memref<3136xf32, #tpu.memory_space<vmem_shared>>
        tpu.enqueue_dma source(%arg15 : memref<3136xf32, #tpu.memory_space<vmem>>) target(%dma_start3A_75 : memref<3136xf32, #tpu.memory_space<vmem_shared>>) target_semaphore(%run_scoped3A : memref<!tpu.dma_semaphore, #tpu.memory_space<semaphore_mem>>)
        %dma_wait3A = tpu.memref_slice %arg9[%mul3A_0] : memref<50176xf32, #tpu.memory_space<vmem_shared>> -> memref<3136xf32, #tpu.memory_space<vmem_shared>>
        %dma_wait3A_76 = tpu.memref_slice %arg9[%mul3A_0] : memref<50176xf32, #tpu.memory_space<vmem_shared>> -> memref<3136xf32, #tpu.memory_space<vmem_shared>>
        tpu.wait_dma2 semaphore(%run_scoped3A : memref<!tpu.dma_semaphore, #tpu.memory_space<semaphore_mem>>) src(%arg15 : memref<3136xf32, #tpu.memory_space<vmem>>) dst(%dma_wait3A_76 : memref<3136xf32, #tpu.memory_space<vmem_shared>>)
        tpu.yield
      }) : () -> ()
      %eq3A_63 = arith.constant 0 : i32
      %eq3A_64 = arith.cmpi eq, %while3A_42, %eq3A_63 : i32
      %jit3A = arith.constant 2.000000e+00 : f32
      %jit3A_65 = arith.constant 1.000000e+00 : f32
      %select_n3A = arith.select %eq3A_64, %jit3A, %jit3A_65 : f32
      %convert_element_type3A_66 = arith.sitofp %while3A_42 : i32 to f32
      %scan3A_67 = arith.constant 0 : i32
      %scan3A_68 = arith.constant 0 : i32
      %scan3A_69 = arith.constant 196 : i32
      %scan3A_70 = arith.addi %scan3A_68, %scan3A_69 : i32
      %scan3A_71 = arith.constant 1 : i32
      %scan3A_72 = scf.for %scan3A_75 = %scan3A_68 to %scan3A_70 step %scan3A_71 iter_args(%scan3A_76 = %scan3A_67) -> (i32)  : i32 {
        %mul3A_77 = arith.constant 16 : i32
        %mul3A_78 = arith.muli %scan3A_75, %mul3A_77 : i32
        %get3A_79 = arith.index_cast %mul3A_78 : i32 to index
        %get3A_80 = tpu.vector_load %arg14[%get3A_79] {strides = array<i32>} : memref<3136xf32, #tpu.memory_space<vmem>>, vector<16xf32>,
        %gt3A = arith.constant 0.000000e+00 : f32
        %gt3A_81 = vector.broadcast %gt3A : f32 to vector<16xf32>
        %gt3A_82 = arith.cmpf ogt, %get3A_80, %gt3A_81 : vector<16xf32>
        %get3A_83 = arith.index_cast %mul3A_78 : i32 to index
        %get3A_84 = tpu.vector_load %arg10[%get3A_83] {strides = array<i32>} : memref<3136xf32, #tpu.memory_space<vmem>>, vector<16xf32>,
        %get3A_85 = arith.index_cast %mul3A_78 : i32 to index
        %get3A_86 = tpu.vector_load %arg11[%get3A_85] {strides = array<i32>} : memref<3136xf32, #tpu.memory_space<vmem>>, vector<16xf32>,
        %get3A_87 = arith.index_cast %mul3A_78 : i32 to index
        %get3A_88 = tpu.vector_load %arg12[%get3A_87] {strides = array<i32>} : memref<3136xi32, #tpu.memory_space<vmem>>, vector<16xi32>,
        %sub3A_89 = vector.broadcast %convert_element_type3A_66 : f32 to vector<16xf32>
        %sub3A_90 = arith.subf %sub3A_89, %get3A_86 : vector<16xf32>
        %mul3A_91 = arith.constant -5.000000e-02 : f32
        %mul3A_92 = vector.broadcast %mul3A_91 : f32 to vector<16xf32>
        %mul3A_93 = arith.mulf %sub3A_90, %mul3A_92 : vector<16xf32>
        %exp3A = math.exp %mul3A_93 : vector<16xf32>
        %mul3A_94 = arith.mulf %get3A_84, %exp3A : vector<16xf32>
        %get3A_95 = arith.index_cast %mul3A_78 : i32 to index
        %get3A_96 = tpu.vector_load %arg13[%get3A_95] {strides = array<i32>} : memref<3136xf32, #tpu.memory_space<vmem>>, vector<16xf32>,
        %mul3A_97 = vector.broadcast %select_n3A : f32 to vector<16xf32>
        %mul3A_98 = arith.mulf %mul3A_97, %get3A_96 : vector<16xf32>
        %add3A_99 = arith.addf %mul3A_94, %mul3A_98 : vector<16xf32>
        %select_n3A_100 = arith.select %gt3A_82, %add3A_99, %get3A_84 : vector<16xi1>, vector<16xf32>
        %broadcast_in_dim3A_101 = vector.broadcast %convert_element_type3A_66 : f32 to vector<16xf32>
        %select_n3A_102 = arith.select %gt3A_82, %broadcast_in_dim3A_101, %get3A_86 : vector<16xi1>, vector<16xf32>
        %swap3A_103 = arith.index_cast %mul3A_78 : i32 to index
        %swap3A_104 = tpu.vector_load %arg11[%swap3A_103] {strides = array<i32>} : memref<3136xf32, #tpu.memory_space<vmem>>, vector<16xf32>,
        tpu.vector_store %arg11[%swap3A_103], %select_n3A_102 {strides = array<i32>} : memref<3136xf32, #tpu.memory_space<vmem>>, vector<16xf32>,
        %ge3A = arith.constant 3.000000e-01 : f32
        %ge3A_105 = vector.broadcast %ge3A : f32 to vector<16xf32>
        %ge3A_106 = arith.cmpf oge, %select_n3A_100, %ge3A_105 : vector<16xf32>
        %and3A = arith.andi %gt3A_82, %ge3A_106 : vector<16xi1>
        %lt3A = arith.constant 0 : i32
        %lt3A_107 = vector.broadcast %lt3A : i32 to vector<16xi32>
        %lt3A_108 = arith.cmpi slt, %get3A_88, %lt3A_107 : vector<16xi32>
        %and3A_109 = arith.andi %and3A, %lt3A_108 : vector<16xi1>
        %swap3A_110 = arith.index_cast %mul3A_78 : i32 to index
        %swap3A_111 = tpu.vector_load %arg10[%swap3A_110] {strides = array<i32>} : memref<3136xf32, #tpu.memory_space<vmem>>, vector<16xf32>,
        tpu.vector_store %arg10[%swap3A_110], %select_n3A_100 {strides = array<i32>} : memref<3136xf32, #tpu.memory_space<vmem>>, vector<16xf32>,
        %broadcast_in_dim3A_112 = vector.broadcast %while3A_42 : i32 to vector<16xi32>
        %select_n3A_113 = arith.select %and3A_109, %broadcast_in_dim3A_112, %get3A_88 : vector<16xi1>, vector<16xi32>
        %swap3A_114 = arith.index_cast %mul3A_78 : i32 to index
        %swap3A_115 = tpu.vector_load %arg12[%swap3A_114] {strides = array<i32>} : memref<3136xi32, #tpu.memory_space<vmem>>, vector<16xi32>,
        tpu.vector_store %arg12[%swap3A_114], %select_n3A_113 {strides = array<i32>} : memref<3136xi32, #tpu.memory_space<vmem>>, vector<16xi32>,
        %mul3A_116 = arith.constant 16 : i32
        %mul3A_117 = arith.muli %scan3A_75, %mul3A_116 : i32
        %add3A_118 = arith.addi %mul3A_0, %mul3A_117 : i32
        %add3A_119 = vector.broadcast %add3A_118 : i32 to vector<16xi32>
        %add3A_120 = arith.addi %add3A_119, %iota3A : vector<16xi32>
        %lt3A_121 = arith.constant 49024 : i32
        %lt3A_122 = vector.broadcast %lt3A_121 : i32 to vector<16xi32>
        %lt3A_123 = arith.cmpi slt, %add3A_120, %lt3A_122 : vector<16xi32>
        %and3A_124 = arith.andi %and3A_109, %lt3A_123 : vector<16xi1>
        %swap3A_125 = arith.index_cast %scan3A_76 : i32 to index
        %swap3A_126 = tpu.vector_load %arg16[%swap3A_125] masked %and3A_124 {strides = array<i32>} : memref<3152xi32, #tpu.memory_space<vmem>>, vector<16xi32>, vector<16xi1>
        tpu.vector_store %arg16[%swap3A_125], %add3A_120 masked %and3A_124 {strides = array<i32>} : memref<3152xi32, #tpu.memory_space<vmem>>, vector<16xi32>, vector<16xi1>
        %all_reduce_population_count3A = tpu.all_reduce %and3A_124 {dim = 0 : i64, kind = #tpu.reduction_kind<sum>} : vector<16xi1> -> vector<16xi32>
        %reduce_max3A_127 = arith.constant true
        %reduce_max3A_128 = vector.broadcast %reduce_max3A_127 : i1 to vector<16xi1>
        %reduce_max3A_129 = arith.constant -2147483648 : i32
        %reduce_max3A_130 = vector.broadcast %reduce_max3A_129 : i32 to vector<16xi32>
        %reduce_max3A_131 = arith.xori %all_reduce_population_count3A, %reduce_max3A_130 : vector<16xi32>
        %reduce_max3A_132 = tpu.scan <max>, %reduce_max3A_131 masked %reduce_max3A_128 : vector<16xi32>, vector<16xi1> -> vector<16xi32>
        %reduce_max3A_133 = arith.xori %reduce_max3A_132, %reduce_max3A_130 : vector<16xi32>
        %reduce_max3A_134 = vector.extract %reduce_max3A_133[15] : i32 from vector<16xi32>
        %add3A_135 = arith.addi %scan3A_76, %reduce_max3A_134 : i32
        scf.yield %add3A_135 : i32
      }
      %scan3A_73 = arith.constant 196 : i32
      %barrier3A_74 = arith.constant 0 : index
      tpu.barrier barrier_id(%barrier3A_74)
      scf.yield %scan3A_72 : i32
    }
    %eq3A = arith.constant 15 : i32
    %eq3A_40 = arith.cmpi eq, %arg1, %eq3A : i32
    %convert_element_type3A = arith.extui %eq3A_40 : i1 to i32
    %cond3A = arith.constant 0 : i32
    %cond3A_41 = arith.cmpi ne, %convert_element_type3A, %cond3A : i32
    scf.if %cond3A_41 {
      "tpu.region"() ({
        %run_scoped3A = tpu.sem_alloc : memref<!tpu.dma_semaphore, #tpu.memory_space<semaphore_mem>>
        %dma_start3A = arith.constant 1984 : i32
        %dma_start3A_42 = tpu.memref_slice %arg12[%dma_start3A] : memref<3136xi32, #tpu.memory_space<vmem>> -> memref<976xi32, #tpu.memory_space<vmem>>
        %dma_start3A_43 = arith.constant 1984 : i32
        %dma_start3A_44 = tpu.memref_slice %arg12[%dma_start3A_43] : memref<3136xi32, #tpu.memory_space<vmem>> -> memref<976xi32, #tpu.memory_space<vmem>>
        tpu.enqueue_dma source(%dma_start3A_44 : memref<976xi32, #tpu.memory_space<vmem>>) target(%arg6 : memref<976xi32, #tpu.memory_space<hbm>>) target_semaphore(%run_scoped3A : memref<!tpu.dma_semaphore, #tpu.memory_space<semaphore_mem>>)
        %dma_wait3A = arith.constant 1984 : i32
        %dma_wait3A_45 = tpu.memref_slice %arg12[%dma_wait3A] : memref<3136xi32, #tpu.memory_space<vmem>> -> memref<976xi32, #tpu.memory_space<vmem>>
        %dma_wait3A_46 = arith.constant 1984 : i32
        %dma_wait3A_47 = tpu.memref_slice %arg12[%dma_wait3A_46] : memref<3136xi32, #tpu.memory_space<vmem>> -> memref<976xi32, #tpu.memory_space<vmem>>
        tpu.wait_dma2 semaphore(%run_scoped3A : memref<!tpu.dma_semaphore, #tpu.memory_space<semaphore_mem>>) src(%dma_wait3A_47 : memref<976xi32, #tpu.memory_space<vmem>>) dst(%arg6 : memref<976xi32, #tpu.memory_space<hbm>>)
        tpu.yield
      }) : () -> ()
      "tpu.region"() ({
        %run_scoped3A = tpu.sem_alloc : memref<!tpu.dma_semaphore, #tpu.memory_space<semaphore_mem>>
        %dma_start3A = arith.constant 1984 : i32
        %dma_start3A_42 = tpu.memref_slice %arg10[%dma_start3A] : memref<3136xf32, #tpu.memory_space<vmem>> -> memref<976xf32, #tpu.memory_space<vmem>>
        %dma_start3A_43 = arith.constant 1984 : i32
        %dma_start3A_44 = tpu.memref_slice %arg10[%dma_start3A_43] : memref<3136xf32, #tpu.memory_space<vmem>> -> memref<976xf32, #tpu.memory_space<vmem>>
        tpu.enqueue_dma source(%dma_start3A_44 : memref<976xf32, #tpu.memory_space<vmem>>) target(%arg7 : memref<976xf32, #tpu.memory_space<hbm>>) target_semaphore(%run_scoped3A : memref<!tpu.dma_semaphore, #tpu.memory_space<semaphore_mem>>)
        %dma_wait3A = arith.constant 1984 : i32
        %dma_wait3A_45 = tpu.memref_slice %arg10[%dma_wait3A] : memref<3136xf32, #tpu.memory_space<vmem>> -> memref<976xf32, #tpu.memory_space<vmem>>
        %dma_wait3A_46 = arith.constant 1984 : i32
        %dma_wait3A_47 = tpu.memref_slice %arg10[%dma_wait3A_46] : memref<3136xf32, #tpu.memory_space<vmem>> -> memref<976xf32, #tpu.memory_space<vmem>>
        tpu.wait_dma2 semaphore(%run_scoped3A : memref<!tpu.dma_semaphore, #tpu.memory_space<semaphore_mem>>) src(%dma_wait3A_47 : memref<976xf32, #tpu.memory_space<vmem>>) dst(%arg7 : memref<976xf32, #tpu.memory_space<hbm>>)
        tpu.yield
      }) : () -> ()
    } else {
    }
    return
  }
}

</mosaic_0001>

<sc_bundles>
// kernel: kernel.3.cloned.1.call-start
scs
__scs_entry_jumppad:
0x0: {  	(pc) =	sbr.rel $0x88, $3  }
0x1: {  	(tag) =	ssettag $0x0;
	lr =	simm.s32 $0x1  }
0x2: {  	[smem:$0x3F9D] =	sst lr;
	_ =	strace $0xD0000000  }
0x3: {  	_ = 	snop  }
0x4: {  	_ = 	snop  }
0x5: {  	_ = 	snop  }
0x6: {  	_ = 	snop  }
0x7: {  	_ = 	snop  }
__scs_overlays_trampoline_lowered:
0x8: {  	[smem:$0x3FAC] =	sst s0  }
0x9: {  	[smem:$0x3FAD] =	sst s1  }
0xa: {  	[smem:$0x3FAE] =	sst s2  }
0xb: {  	[smem:$0x3FAF] =	sst s3  }
0xc: {  	[smem:$0x3FB0] =	sst s4  }
0xd: {  	[smem:$0x3FB1] =	sst s5  }
0xe: {  	[smem:$0x3FB2] =	sst s6  }
0xf: {  	[smem:$0x3FB3] =	sst s7  }
0x10: {  	[smem:$0x3FB4] =	sst s8  }
0x11: {  	[smem:$0x3FB5] =	sst s9;
	s0 =	simm.s32 @!p0 $0x0  }
0x12: {  	s1 =	sld [smem:$0x3F9B];
	s0 =	simm.s32 @p0 $0x1  }
0x13: {  	[smem:$0x3FB6] =	sst s0;
	s0 =	simm.s32 @!p1 $0x0  }
0x14: {  	s2 =	sld [smem:$0x3F9A];
	s0 =	simm.s32 @p1 $0x1  }
0x15: {  	[smem:$0x3FB7] =	sst s0;
	s0 =	simm.s32 @!p2 $0x0  }
0x16: {  	s3 =	sld [smem:$0x3FDB];
	s0 =	simm.s32 @p2 $0x1  }
0x17: {  	s4 =	simm.s32 $0x1BF5;
	[smem:$0x3FB9] =	sst s0  }
0x18: {  	s0 =	sld [smem:$0x3F9C];
	_ =	swait.ge [sflag:s4], $0x0  }
0x19: {  	s7 =	sld [smem:$0x3F9D]  }
0x1a: {  	s8 =	sadd.s32 $0xFFFFE003, lr  }
0x1b: {  	s9 =	sadd.s32 $0xFFFFFEF7, lr;
	s5 =	simm.s32 $0xFFFFFFFF;
	p2 =	slt.u32 s8, $0xFFFFF086  }
0x1c: {  	p1 =	slt.u32 s9, $0xF7A;
	s5 =	simm.s32 @!p2 $0x0  }
0x1d: {  	s5 =	simm.s32 @p1 $0x1;
	p0 =	seq.s32 s7, s2  }
0x1e: {  	s7 =	smul.u32 @!p0 $0xF7A, s2;
	p2 =	seq.s32 @!p0 s5, $0x0  }
0x1f: {  	s9 =	smul.u32 $0xF7A, s1;
	s8 =	simm.s32 @!p0 $0x1BF5;
	p2 =	por !p2, p0  }
0x20: {  	[sflag:s8] =	ssyncset.s32 @!p0 $0xFFFFF086;
	s6 =	sadd.s32 @!p0 s3, s7;
	s7 =	simm.s32 @!p0 $0x108  }
0x21: {  	s3 =	sadd.s32 s3, s9;
	s6 =	sadd.s32 @!p0 $0x88, s6;
	s7 =	simm.s32 @p2 $0x1082  }
0x22: {  	[simem:s7], [sflag:s8] =	dma.local @!p0 [hbm:s6], $0xF7A  }
0x23: {  	s9 =	sor.u32 $0xD0000000, s2;
	s6 =	simm.s32 $0x108;
	_ =	swait.ge @!p0 [sflag:s8], $0x0  }
0x24: {  	s3 =	sadd.s32 $0x88, s3;
	s6 =	simm.s32 @!p1 $0x1082;
	[sflag:s4] =	ssyncset.s32 $0xFFFFF086  }
0x25: {  	[simem:s6], [sflag:s4] =	dma.local [hbm:s3], $0xF7A  }
0x26: {  	[smem:$0x3F9D] =	sst s1;
	(tag) =	ssettag s2;
	_ =	strace s9  }
0x27: {  	s1 =	sld [smem:$0x3FAD]  }
0x28: {  	s2 =	sld [smem:$0x3FAE]  }
0x29: {  	s4 =	sld [smem:$0x3FB0]  }
0x2a: {  	p0 =	seq.s32 s5, $0x0;
	s5 =	sld [smem:$0x3FB1]  }
0x2b: {  	s6 =	sld [smem:$0x3FB2]  }
0x2c: {  	s7 =	sld [smem:$0x3FB3]  }
0x2d: {  	s3 =	simm.s32 $0x108;
	s8 =	sld [smem:$0x3FB4]  }
0x2e: {  	s3 =	simm.s32 @!p0 $0x1082;
	s9 =	sld [smem:$0x3FB5]  }
0x2f: {  	lr =	sadd.s32 s0, s3;
	s0 =	sld [smem:$0x3FAC]  }
0x30: {  	s3 =	sld [smem:$0x3FAF]  }
0x31: {  	[smem:$0x3FB8] =	sst s10  }
0x32: {  	s10 =	sld [smem:$0x3FB6];
	_ =	sdelay $0x3  }
0x33: {  	p0 =	seq.s32 s10, $0x1;
	s10 =	sld [smem:$0x3FB8];
	_ =	sdelay $0x3  }
0x34: {  	[smem:$0x3FB8] =	sst s10  }
0x35: {  	s10 =	sld [smem:$0x3FB7];
	_ =	sdelay $0x3  }
0x36: {  	p1 =	seq.s32 s10, $0x1;
	s10 =	sld [smem:$0x3FB8];
	_ =	sdelay $0x3  }
0x37: {  	[smem:$0x3FB8] =	sst s10  }
0x38: {  	s10 =	sld [smem:$0x3FB9]  }
0x39: {  	_ = 	snop;
	(pc) =	sbr.ind lr, $3  }
0x3a: {  	_ = 	snop  }
0x3b: {  	_ = 	snop  }
0x3c: {  	p2 =	seq.s32 s10, $0x1;
	s10 =	sld [smem:$0x3FB8]  }
0x3d: {  	_ =	shalt  }
0x3e: {  	_ =	shalt  }
0x3f: {  	_ =	shalt  }
0x40: {  	_ =	shalt  }
0x41: {  	_ =	shalt  }
0x42: {  	_ =	shalt  }
0x43: {  	_ =	shalt  }
0x44: {  	_ =	shalt  }
0x45: {  	_ =	shalt  }
0x46: {  	_ =	shalt  }
0x47: {  	_ =	shalt  }
0x48: {  	_ =	shalt  }
0x49: {  	_ =	shalt  }
0x4a: {  	_ =	shalt  }
0x4b: {  	_ =	shalt  }
0x4c: {  	_ =	shalt  }
0x4d: {  	_ =	shalt  }
0x4e: {  	_ =	shalt  }
0x4f: {  	_ =	shalt  }
0x50: {  	_ =	shalt  }
0x51: {  	_ =	shalt  }
0x52: {  	_ =	shalt  }
0x53: {  	_ =	shalt  }
0x54: {  	_ =	shalt  }
0x55: {  	_ =	shalt  }
0x56: {  	_ =	shalt  }
0x57: {  	_ =	shalt  }
0x58: {  	_ =	shalt  }
0x59: {  	_ =	shalt  }
0x5a: {  	_ =	shalt  }
0x5b: {  	_ =	shalt  }
0x5c: {  	_ =	shalt  }
0x5d: {  	_ =	shalt  }
0x5e: {  	_ =	shalt  }
0x5f: {  	_ =	shalt  }
0x60: {  	_ =	shalt  }
0x61: {  	_ =	shalt  }
0x62: {  	_ =	shalt  }
0x63: {  	_ =	shalt  }
0x64: {  	_ =	shalt  }
0x65: {  	_ =	shalt  }
0x66: {  	_ =	shalt  }
0x67: {  	_ =	shalt  }
0x68: {  	_ =	shalt  }
0x69: {  	_ =	shalt  }
0x6a: {  	_ =	shalt  }
0x6b: {  	_ =	shalt  }
0x6c: {  	_ =	shalt  }
0x6d: {  	_ =	shalt  }
0x6e: {  	_ =	shalt  }
0x6f: {  	_ =	shalt  }
0x70: {  	_ =	shalt  }
0x71: {  	_ =	shalt  }
0x72: {  	_ =	shalt  }
0x73: {  	_ =	shalt  }
0x74: {  	_ =	shalt  }
0x75: {  	_ =	shalt  }
0x76: {  	_ =	shalt  }
0x77: {  	_ =	shalt  }
0x78: {  	_ =	shalt  }
0x79: {  	_ =	shalt  }
0x7a: {  	_ =	shalt  }
0x7b: {  	_ =	shalt  }
0x7c: {  	_ =	shalt  }
0x7d: {  	_ =	shalt  }
0x7e: {  	_ =	shalt  }
0x7f: {  	_ =	shalt  }
0x80: {  	_ =	shalt  }
0x81: {  	_ =	shalt  }
0x82: {  	_ =	shalt  }
0x83: {  	_ =	shalt  }
0x84: {  	_ =	shalt  }
0x85: {  	_ =	shalt  }
0x86: {  	_ =	shalt  }
0x87: {  	_ =	shalt  }
.Lfunc_end0:
.L_simem_size_0:
called_computation_lowered:
.L_overlay_start_0:
0x88: {  	s0 =	sld [smem:$0x3FD9]  }
0x89: {  	s1 =	sld [smem:$0x3FFE];
	_ =	sdelay $0x3  }
0x8a: {  	s0 =	sadd.s32 s1, s0  }
0x8b: {  	[smem:$0x3FC4] =	sst s0  }
0x8c: {  	_ = 	snop  }
0x8d: {  	s0 =	sld [smem:$0x3FD0];
	_ =	sdelay $0x2  }
0x8e: {  	s13 =	simm.s32 $0xA;
	s2 =	simm.s32 $0x10  }
0x8f: {  	[smem:s2], [sflag:s13] =	dma.local [hbm:s0], $0x1  }
0x90: {  	_ =	swait.eq [sflag:s13], $0x1  }
0x91: {  	[sflag:s13] =	ssyncset.done $0x0  }
0x92: {  	s14 =	sld [smem:$0x10];
	[sflag:s13] =	ssyncadd.s32 $0xFFFFFFFF  }
0x93: {  	s15 =	sld [smem:$0x11];
	(tm) =	ssettm $0x1  }
0x94: {  	s16 =	sld [smem:$0x3FFB];
	_ =	sdelay $0x3  }
0x95: {  	_ =	strace s16  }
0x96: {  	s2 =	sld [smem:$0x3FFC];
	_ =	sdelay $0x3  }
0x97: {  	_ =	strace s2  }
0x98: {  	s2 =	sld [smem:$0x3FFD];
	_ =	sdelay $0x3  }
0x99: {  	_ =	strace s2  }
0x9a: {  	_ =	strace $0x8FFFFFFF  }
0x9b: {  	s17 =	sld [smem:$0x3FDB];
	_ =	sdelay $0x1  }
0x9c: {  	s3 =	simm.s32 $_scs_section_size  }
0x9d: {  	s4 =	simm.s32 $_size__tile_overlayer_lowered;
	s5 =	simm.s32 $_tile_overlayer_lowered  }
0x9e: {  	s20 =	simm.s32 $0x1BFF;
	s19 =	sshll.u32 s5, $0x1;
	s2 =	sadd.s32 s3, s17  }
0x9f: {  	s6 =	simm.s32 $0x0;
	s18 =	sshll.u32 s4, $0x1;
	s4 =	sadd.s32 s19, s2  }
0xa0: {  	[timem:s6], [sflag:s20] =	dma.local [hbm:s4], s18  }
0xa1: {  	_ =	swait.ge [sflag:s20], s18  }
0xa2: {  	s3 =	ssub.s32 $0x0, s18;
	[sflag:s20] =	ssyncset.done $0x0  }
0xa3: {  	[sflag:s20] =	ssyncadd.s32 s3;
	_ =	sdelay $0x1  }
0xa4: {  	s21 =	simm.s32 $0x1B8B  }
0xa5: {  	_ =	swait.ge [sflag:s21], $0x1  }
0xa6: {  	[sflag:s21] =	ssyncset.done $0x0  }
0xa7: {  	s23 =	simm.s32 $0x1B8E;
	s22 =	sld [smem:$0x3FFE];
	[sflag:s21] =	ssyncadd.s32 $0xFFFFFFFF  }
0xa8: {  	s24 =	simm.s32 $execute0_lowered;
	[smem:$0x3FD2] =	sst s23  }
0xa9: {  	s4 =	sshll.u32 s24, $0x1;
	_ =	strace $0x80000046;
	[dreg:$0x1] =	wrdreg $0xFFFFFFFF  }
0xaa: {  	s25 =	simm.s32 $_size_execute0_lowered;
	s2 =	sadd.s32 s2, s4;
	[dreg:$0x0] =	wrdreg $0x0  }
0xab: {  	s4 =	sshll.u32 s25, $0x1;
	[dreg:$0x2] =	wrdreg s2  }
0xac: {  	[dreg:$0x3] =	wrdreg s4  }
0xad: {  	[dreg:$0x4] =	wrdreg $0xC0  }
0xae: {  	_ =	task [dreg:s6], $0x5FFFF  }
0xaf: {  	[dreg:$0x1] =	wrdreg $0xFFFFFFFF  }
0xb0: {  	[dreg:$0x0] =	wrdreg $0x60  }
0xb1: {  	[dreg:$0x2] =	wrdreg s22  }
0xb2: {  	[dreg:$0x3] =	wrdreg s14  }
0xb3: {  	[dreg:$0x4] =	wrdreg s15  }
0xb4: {  	[dreg:$0x5] =	wrdreg $0x0  }
0xb5: {  	[dreg:$0x6] =	wrdreg $0xC400  }
0xb6: {  	[dreg:$0x7] =	wrdreg $0x9  }
0xb7: {  	_ =	task.clear_ibuf [dreg:s6], $0x8FFFF;
	_ =	strace $0x90000046  }
0xb8: {  	s26 =	simm.s32 $0x9;
	_ =	strace $0x80000048  }
0xb9: {  	_ =	swait.ge [sflag:s26], $0x1  }
0xba: {  	[sflag:s26] =	ssyncadd.s32 $0xFFFFFFFF  }
0xbb: {  	_ =	strace $0x90000048  }
0xbc: {  	_ =	sfence  }
0xbd: {  	s28 =	sld [smem:$0x0];
	_ =	sdelay $0x1  }
0xbe: {  	s29 =	srdreg.scid  }
0xbf: {  	s30 =	sshll.u32 s29, $0xD;
	s31 =	sshrl.u32 s29, $0x2  }
0xc0: {  	s1 =	sand.u32 $0x1, s29;
	s2 =	sand.u32 $0x4000, s30;
	s0 =	sadd.s32 s31, s28  }
0xc1: {  	s1 =	sor.u32 s2, s1;
	s0 =	sshll.u32 s0, $0x11  }
0xc2: {  	s0 =	sor.u32 s0, s1  }
0xc3: {  	s0 =	sadd.s32 $0x8F2B, s0  }
0xc4: {  	[sflag:s0] =	ssyncadd.remote.s32 $0x1  }
0xc5: {  	_ =	sfence.sel $0xFFFF  }
0xc6: {  	[dreg:$0x0] =	wrdreg $0xFFFFFFFF;
	(pc) =	sbr.abs _section_cstart, $3  }
0xc7: {  	[dreg:$0x1] =	wrdreg $0xFFFFFFFF  }
0xc8: {  	_ =	task.clear_ibuf [dreg:s6], $0x2FFFF;
	_ =	strace $0x9FFFFFFF  }
0xc9: {  	(tm) =	ssettm $0x7FFFFFFF  }
tec
execute0_lowered:
.L_overlay_start_1:
0x0: {  	(tag) =	ssettag $0x1  }
0x1: {  	s8 =	rddreg [dreg:$0x0]  }
0x2: {  	s2 =	rddreg [dreg:$0x1]  }
0x3: {  	s1 =	rddreg [dreg:$0x2]  }
0x4: {  	s4 =	rddreg [dreg:$0x3]  }
0x5: {  	s5 =	rddreg [dreg:$0x4]  }
0x6: {  	s0 =	rddreg [dreg:$0x5];
	_ =	strace $0x80000047;
	s7 =	simm.s32 $0x0  }
0x7: {  	s6 =	simm.s32 $0x7C50;
	s9 =	simm.s32 $0x1;
	s3 =	sadd.s32 $0x63400, s8  }
0x8: {  	[tilespmem:s6], [sflag:$0x1] =	stream.linear.gather [hbm4b:s3+s7], $0x10, $0x38;
	[tilespmem:$0x7C60] =	vst v63  }
0x9: {  	_ =	swait.ge [sflag:s9], $0x10  }
0xa: {  	s11 =	simm.s32 $0x7850;
	s3 =	stileid.u32;
	[sflag:s9] =	ssyncset.done $0x0  }
0xb: {  	s10 =	sadd.s32 $0x63200, s8;
	s6 =	smul.u32 $0xC40, s3;
	[sflag:s9] =	ssyncadd.s32 $0xFFFFFFF0  }
0xc: {  	vm0 =	vmxor vm0, vm0;
	v1 =	vld [tilespmem:$0x7C50];
	[tilespmem:s11], [sflag:$0x1] =	stream.linear.gather [hbm4b:s10+s7], $0x400, $0x38  }
0xd: {  	vm1 =	vmmov vm0;
	p0 =	slt.u32 s6, $0xC350;
	_ =	swait.ge [sflag:s9], $0x400  }
0xe: {  	v0 =	vimm.s32 $0x0;
	vm1 =	vmneg @p0 vm1;
	[sflag:s9] =	ssyncset.done $0x0  }
0xf: {  	v3 =	vsel vm1, $0xFFFFFFFF, v0;
	[sflag:s9] =	ssyncadd.s32 $0xFFFFFC00;
	s9 =	simm.s32 $0x0  }
0x10: {  	v2 =	vimm.f32 $0.0e+00;
	[tilespmem:s9+$0x3100] =	vst v3  }
0x11: {  	s7 =	sadd.s32 $0x32200, s8;
	[tilespmem:s9+$0x1880] =	vst v2  }
0x12: {  	s8 =	sadd.s32 $0x1200, s8;
	s10 =	simm.s32 $0x40;
	s11 =	sadd.s32 $0x10, s6;
	[tilespmem:s9+$0x24C0] =	vst v2  }
.LBB2_1:
0x13: {  	p1 =	slt.u32 s11, $0xC350  }
0x14: {  	p0 =	sne.s32 s10, $0x30C0;
	[tilespmem:s9+$0x55C0] =	vst v2;
	s9 =	smov.u32 s10;
	s10 =	sadd.s32 $0x40, s10;
	vm1 =	vmmov vm0  }
.Ltmp0:
0x15: {  	vm1 =	vmneg @p1 vm1;
	(pc) =	sbr.rel @p0 .LBB2_1-.Ltmp0, $4  }
0x16: {  	s9 =	sshra.s32 s9, $0x2;
	v3 =	vsel vm1, $0xFFFFFFFF, v0  }
0x17: {  	[tilespmem:s9+$0x3100] =	vst v3  }
0x18: {  	[tilespmem:s9+$0x1880] =	vst v2  }
0x19: {  	s11 =	sadd.s32 $0x10, s11;
	[tilespmem:s9+$0x24C0] =	vst v2  }
0x1a: {  	[tilespmem:s9+$0x55C0] =	vst v2;
	v0 =	vimm.f32 $1.000000000e+00  }
0x1b: {  	[tilespmem:$0x7650] =	vst v0  }
0x1c: {  	[tilespmem:$0x7660] =	vst v0  }
0x1d: {  	[tilespmem:$0x7670] =	vst v0  }
0x1e: {  	[tilespmem:$0x7680] =	vst v0  }
0x1f: {  	[tilespmem:$0x7690] =	vst v0  }
0x20: {  	[tilespmem:$0x76A0] =	vst v0  }
0x21: {  	[tilespmem:$0x76B0] =	vst v0  }
0x22: {  	[tilespmem:$0x76C0] =	vst v0  }
0x23: {  	[tilespmem:$0x76D0] =	vst v0  }
0x24: {  	[tilespmem:$0x76E0] =	vst v0  }
0x25: {  	[tilespmem:$0x76F0] =	vst v0  }
0x26: {  	[tilespmem:$0x7700] =	vst v0  }
0x27: {  	[tilespmem:$0x7710] =	vst v0  }
0x28: {  	[tilespmem:$0x7720] =	vst v0  }
0x29: {  	[tilespmem:$0x7730] =	vst v0  }
0x2a: {  	[tilespmem:$0x7740] =	vst v0  }
0x2b: {  	[tilespmem:$0x7750] =	vst v0  }
0x2c: {  	[tilespmem:$0x7760] =	vst v0  }
0x2d: {  	[tilespmem:$0x7770] =	vst v0  }
0x2e: {  	[tilespmem:$0x7780] =	vst v0  }
0x2f: {  	[tilespmem:$0x7790] =	vst v0  }
0x30: {  	[tilespmem:$0x77A0] =	vst v0  }
0x31: {  	[tilespmem:$0x77B0] =	vst v0  }
0x32: {  	[tilespmem:$0x77C0] =	vst v0  }
0x33: {  	[tilespmem:$0x77D0] =	vst v0  }
0x34: {  	[tilespmem:$0x77E0] =	vst v0  }
0x35: {  	[tilespmem:$0x77F0] =	vst v0  }
0x36: {  	[tilespmem:$0x7800] =	vst v0  }
0x37: {  	[tilespmem:$0x7810] =	vst v0  }
0x38: {  	[tilespmem:$0x7820] =	vst v0  }
0x39: {  	[tilespmem:$0x7830] =	vst v0  }
0x3a: {  	s26 =	sshll.u32 s3, $0x6;
	[tilespmem:$0x7840] =	vst v0  }
0x3b: {  	v0 =	vld [tilespmem:s26+$0x7850];
	_ =	sdelay $0x4  }
0x3c: {  	vm0 =	vgt.s32 v0, $0x0  }
0x3d: {  	v0 =	vmpcnt.ones.xlane vm0;
	_ =	sdelay $0x1  }
0x3e: {  	v0 =	vxor.u32 $0x80000000, v0  }
0x3f: {  	(xrf0) =	vmax.scan.msk.u32 $0xffff, v0;
	_ =	sdelay $0x5  }
0x40: {  	v0, _, _ =	vpop (xrf0)  }
0x41: {  	(v2sf) =	vpush v0, $0xF;
	_ =	sdelay $0x7  }
0x42: {  	v0 =	vlaneseq.u32  }
0x43: {  	s10 =	simm.s32 $0x6200;
	v2 =	vor.u32 s26, v0  }
0x44: {  	[tilespmem:s10+$0x0] =	vst.msk vm0, v2  }
0x45: {  	v2 =	vld [tilespmem:s26+$0x7860];
	_ =	sdelay $0x3  }
0x46: {  	s11 =	sor.u32 $0x10, s26;
	s28 =	spop (v2sf)  }
0x47: {  	vm0 =	vgt.s32 v2, $0x0;
	v2 =	vor.u32 s11, v0;
	s29 =	sadd.s32 $0x80006200, s28  }
0x48: {  	[tilespmem:s29+$0x0] =	vst.msk vm0, v2  }
0x49: {  	v3 =	vld [tilespmem:s26+$0x7870];
	_ =	sdelay $0x1  }
0x4a: {  	v2 =	vmpcnt.ones.xlane vm0;
	_ =	sdelay $0x1  }
0x4b: {  	v2 =	vxor.u32 $0x80000000, v2  }
0x4c: {  	(xrf0) =	vmax.scan.msk.u32 $0xffff, v2;
	vm0 =	vgt.s32 v3, $0x0  }
0x4d: {  	v2 =	vmpcnt.ones.xlane vm0;
	_ =	sdelay $0x1  }
0x4e: {  	v2 =	vxor.u32 $0x80000000, v2;
	_ =	sdelay $0x2  }
0x4f: {  	(xrf0) =	vmax.scan.msk.u32 $0xffff, v2;
	v2, _, _ =	vpop (xrf0)  }
0x50: {  	(v2sf) =	vpush v2, $0xF  }
0x51: {  	v1 =	vxor.u32 $0x80000000, v1  }
0x52: {  	(xrf0) =	vmax.scan.msk.u32 $0xffff, v1;
	_ =	sdelay $0x2  }
0x53: {  	v1, _, _ =	vpop (xrf0)  }
0x54: {  	(v2sf) =	vpush v1, $0xF;
	_ =	sdelay $0x1  }
0x55: {  	v1, _, _ =	vpop (xrf0)  }
0x56: {  	(v2sf) =	vpush v1, $0xF;
	_ =	sdelay $0x5  }
0x57: {  	s12 =	sor.u32 $0x20, s26;
	s30 =	spop (v2sf)  }
0x58: {  	v1 =	vor.u32 s12, v0;
	s10 =	sadd.s32 s28, s30  }
0x59: {  	[tilespmem:s10+$0x6200] =	vst.msk vm0, v1  }
0x5a: {  	v1 =	vld [tilespmem:s26+$0x7880];
	_ =	sdelay $0x2  }
0x5b: {  	s31 =	spop (v2sf)  }
0x5c: {  	s9 =	sor.u32 $0x30, s26;
	s10 =	sadd.s32 s31, s10  }
0x5d: {  	s11 =	simm.s32 $0x1;
	s14 =	sadd.s32 $0x80000000, s10;
	vm0 =	vgt.s32 v1, $0x0;
	v1 =	vor.u32 s9, v0  }
0x5e: {  	s10 =	simm.s32 $0x55C0;
	s13 =	spop (v2sf);
	s9 =	sadd.s32 s6, s4;
	[tilespmem:s14+$0x6200] =	vst.msk vm0, v1  }
0x5f: {  	[spmem:s9] =	stream.linear.scatter [tilespmem:s10], [sflag:$0x1], $0xC40, $0x38;
	[tilespmem:$0x7C60] =	vst v63  }
0x60: {  	_ =	swait.ge [sflag:s11], $0xC40  }
0x61: {  	s13 =	sxor.u32 $0x80000000, s13;
	[sflag:s11] =	ssyncset.done $0x0  }
0x62: {  	s12 =	sadd.s32 s6, s5;
	p0 =	slt.s32 s13, $0x1;
	[sflag:s11] =	ssyncadd.s32 $0xFFFFF3C0  }
0x63: {  	[spmem:s12] =	stream.linear.scatter [tilespmem:s10], [sflag:$0x1], $0xC40, $0x38;
	[tilespmem:$0x7C60] =	vst v63  }
.Ltmp1:
0x64: {  	_ =	swait.ge [sflag:s11], $0xC40;
	(pc) =	sbr.rel @p0 .LBB2_11-.Ltmp1, $3  }
0x65: {  	[sflag:s11] =	ssyncset.done $0x0  }
0x66: {  	[sflag:s11] =	ssyncadd.s32 $0xFFFFF3C0  }
0x67: {  	[bflag:$0x0] =	sbarrier.arrive $0xFFFF;
	_ =	sdelay $0x1  }
0x68: {  	v1 =	vmpcnt.ones.xlane vm0;
	_ =	sdelay $0x1  }
0x69: {  	v1 =	vxor.u32 $0x80000000, v1  }
0x6a: {  	(xrf0) =	vmax.scan.msk.u32 $0xffff, v1;
	_ =	sdelay $0x5  }
0x6b: {  	v1, _, _ =	vpop (xrf0)  }
0x6c: {  	(v2sf) =	vpush v1, $0xF;
	_ =	sdelay $0xc  }
0x6d: {  	s16 =	simm.s32 $0x6E50  }
0x6e: {  	s17 =	simm.s32 $0x7050;
	s18 =	simm.s32 $0x200;
	s19 =	simm.s32 $0x7450  }
0x6f: {  	s20 =	simm.s32 $0x7250;
	s21 =	simm.s32 $0x7650;
	s15 =	spop (v2sf)  }
0x70: {  	s22 =	simm.s32 $0x3D40;
	s23 =	simm.s32 $0x4980;
	s14 =	sadd.s32 s15, s14  }
0x71: {  	v1 =	vimm.s32 $0xC350;
	s15 =	simm.s32 $0x10;
	s25 =	sadd.s32 $0x80000000, s14;
	s14 =	simm.s32 $0x0  }
.LBB2_4:
0x72: {  	s24 =	sadd.s32 $0xF, s25  }
0x73: {  	s24 =	sshra.s32 s24, $0x4  }
0x74: {  	p0 =	slt.s32 s24, $0x1  }
.Ltmp2:
0x75: {  	_ = 	snop;
	(pc) =	sbr.rel @p0 .LBB2_8-.Ltmp2, $2  }
0x76: {  	_ =	sdelay $0x2  }
0x77: {  	[tilespmem:s25+$0x6200] =	vst v1;
	s25 =	simm.s32 $0x0  }
.LBB2_5:
0x78: {  	s26 =	sshll.u32 s25, $0x6  }
0x79: {  	s26 =	sshra.s32 s26, $0x2  }
0x7a: {  	s26 =	sadd.s32 $0x6200, s26  }
0x7b: {  	[tilespmem:s16], [sflag:$0x1] =	stream.indirect.gather [hbm4b:s7+s15], $0x20, s26, s15, $0xb8;
	[tilespmem:$0x7C60] =	vst v63  }
0x7c: {  	_ =	swait.ge [sflag:s11], $0x200  }
0x7d: {  	[sflag:s11] =	ssyncset.done $0x0  }
0x7e: {  	[sflag:s11] =	ssyncadd.s32 $0xFFFFFE00  }
0x7f: {  	[tilespmem:s17], [sflag:$0x1] =	stream.indirect.gather [hbm4b:s8+s15], $0x20, s26, s15, $0xb8;
	[tilespmem:$0x7C60] =	vst v63  }
0x80: {  	_ =	swait.ge [sflag:s11], $0x200  }
0x81: {  	[sflag:s11] =	ssyncset.done $0x0  }
0x82: {  	s26 =	simm.s32 $0x0;
	[sflag:s11] =	ssyncadd.s32 $0xFFFFFE00  }
0x83: {  	v2 =	vld [tilespmem:s26+$0x7060]  }
0x84: {  	v3 =	vld [tilespmem:s26+$0x6E50]  }
0x85: {  	v4 =	vld [tilespmem:s26+$0x6E60]  }
0x86: {  	s28 =	simm.s32 $0x80;
	v5 =	vld [tilespmem:s26+$0x7050]  }
.LBB2_6:
0x87: {  	p0 =	sne.s32 s28, $0x780  }
.Ltmp3:
0x88: {  	s29 =	sshra.s32 s28, $0x2;
	s28 =	sadd.s32 $0x80, s28;
	[tilespmem:s26+$0x7460] =	vst v2;
	(pc) =	sbr.rel @p0 .LBB2_6-.Ltmp3, $4  }
0x89: {  	v2 =	vld [tilespmem:s29+$0x7060];
	[tilespmem:s26+$0x7250] =	vst v3  }
0x8a: {  	v3 =	vld [tilespmem:s29+$0x6E50];
	[tilespmem:s26+$0x7260] =	vst v4  }
0x8b: {  	v4 =	vld [tilespmem:s29+$0x6E60];
	[tilespmem:s26+$0x7450] =	vst v5;
	s26 =	smov.u32 s29  }
0x8c: {  	v5 =	vld [tilespmem:s26+$0x7050]  }
0x8d: {  	_ = 	snop  }
0x8e: {  	[tilespmem:s26+$0x7460] =	vst v2  }
0x8f: {  	[tilespmem:s26+$0x7250] =	vst v3  }
0x90: {  	[tilespmem:s26+$0x7260] =	vst v4  }
0x91: {  	[tilespmem:s26+$0x7450] =	vst v5  }
0x92: {  	[spmem:s4] =	stream.indirect.scatter.add.f32 [tilespmem:s20], [sflag:$0x1], $0x1, s19, s18, $0xb8;
	[tilespmem:$0x7C60] =	vst v63  }
0x93: {  	s25 =	sadd.s32 $0x1, s25;
	_ =	swait.ge [sflag:s11], $0x200  }
0x94: {  	p0 =	sne.s32 s25, s24;
	[sflag:s11] =	ssyncset.done $0x0  }
.Ltmp4:
0x95: {  	[sflag:s11] =	ssyncadd.s32 $0xFFFFFE00;
	(pc) =	sbr.rel @p0 .LBB2_5-.Ltmp4, $4  }
0x96: {  	[spmem:s5] =	stream.indirect.scatter.add.f32 [tilespmem:s21], [sflag:$0x1], $0x1, s19, s18, $0xb8;
	[tilespmem:$0x7C60] =	vst v63  }
0x97: {  	_ =	swait.ge [sflag:s11], $0x200  }
0x98: {  	[sflag:s11] =	ssyncset.done $0x0  }
0x99: {  	[sflag:s11] =	ssyncadd.s32 $0xFFFFFE00  }
.LBB2_8:
0x9a: {  	[bflag:$0x0] =	sbarrier.arrive $0xFFFF  }
0x9b: {  	[tilespmem:s22], [sflag:$0x1] =	stream.linear.gather [spmem:s9], $0xC40, $0x38;
	[tilespmem:$0x7C60] =	vst v63  }
0x9c: {  	_ =	swait.ge [sflag:s11], $0xC40  }
0x9d: {  	[sflag:s11] =	ssyncset.done $0x0  }
0x9e: {  	[sflag:s11] =	ssyncadd.s32 $0xFFFFF3C0  }
0x9f: {  	[tilespmem:s23], [sflag:$0x1] =	stream.linear.gather [spmem:s12], $0xC40, $0x38;
	[tilespmem:$0x7C60] =	vst v63  }
0xa0: {  	_ =	swait.ge [sflag:s11], $0xC40  }
0xa1: {  	[sflag:s11] =	ssyncset.done $0x0  }
0xa2: {  	[sflag:s11] =	ssyncadd.s32 $0xFFFFF3C0  }
0xa3: {  	[spmem:s9] =	stream.linear.scatter [tilespmem:s10], [sflag:$0x1], $0xC40, $0x38;
	[tilespmem:$0x7C60] =	vst v63  }
0xa4: {  	_ =	swait.ge [sflag:s11], $0xC40  }
0xa5: {  	[sflag:s11] =	ssyncset.done $0x0  }
0xa6: {  	[sflag:s11] =	ssyncadd.s32 $0xFFFFF3C0  }
0xa7: {  	[spmem:s12] =	stream.linear.scatter [tilespmem:s10], [sflag:$0x1], $0xC40, $0x38;
	[tilespmem:$0x7C60] =	vst v63  }
0xa8: {  	_ =	swait.ge [sflag:s11], $0xC40  }
0xa9: {  	[sflag:s11] =	ssyncset.done $0x0  }
0xaa: {  	s24 =	simm.s32 $0x0;
	[sflag:s11] =	ssyncadd.s32 $0xFFFFF3C0  }
0xab: {  	v5 =	vld [tilespmem:s24+$0x24C0];
	_ =	sdelay $0x1  }
0xac: {  	s25 =	scvt.s32.f32 s14;
	_ =	sdelay $0x1  }
0xad: {  	v2 =	vmov s25  }
0xae: {  	v3 =	vsub.f32 v2, v5;
	_ =	sdelay $0x1  }
0xaf: {  	v3 =	vmul.f32 $-5.000000070e-02, v3;
	_ =	sdelay $0x1  }
0xb0: {  	v3 =	vmul.f32 $1.442695020e+00, v3;
	_ =	sdelay $0x1  }
0xb1: {  	(erf) = vpow2.f32 v3;
	_ =	sdelay $0x3  }
0xb2: {  	v6 =	vld [tilespmem:s24+$0x1880]  }
0xb3: {  	v3 =	vld [tilespmem:s24+$0x3D40];
	_ =	sdelay $0x1  }
0xb4: {  	p0 =	seq.s32 s14, $0x0;
	s25 =	simm.f32 $2.000000000e+00  }
0xb5: {  	s25 =	simm.s32 @!p0 $0x3F800000;
	v7 =	vld [tilespmem:s24+$0x4980]  }
0xb6: {  	v4 =	vmov s25;
	v8 =	vpop (erf)  }
0xb7: {  	v9 =	vld [tilespmem:s24+$0x3100];
	v3 =	vmul.f32 v3, v4;
	v8 =	vmul.f32 v8, v6;
	_ =	sdelay $0x1  }
0xb8: {  	v3 =	vadd.f32 v8, v3  }
0xb9: {  	vm0 =	vgt.f32 v7, $0.0e+00  }
0xba: {  	v6 =	vsel vm0, v3, v6  }
0xbb: {  	vm1 =	vlt.s32 v9, $0x0;
	vm2 =	vge.f32 v6, $3.000000120e-01  }
0xbc: {  	v7 =	vmov s6;
	v5 =	vsel vm0, v2, v5;
	vm1 =	vmand vm1, vm2  }
0xbd: {  	[tilespmem:s24+$0x24C0] =	vst v5;
	v3 =	vmov s14;
	vm0 =	vmand vm0, vm1;
	vm1 =	vlt.u32 v7, $0xBF80  }
0xbe: {  	[tilespmem:s24+$0x1880] =	vst v6;
	v5 =	vsel vm0, v3, v9;
	vm0 =	vmand vm1, vm0  }
0xbf: {  	s25 =	simm.s32 $0x0;
	v6 =	vor.u32 s6, v0;
	[tilespmem:s24+$0x3100] =	vst v5;
	v7 =	vmpcnt.ones.xlane vm0  }
0xc0: {  	s24 =	simm.s32 $0x10;
	[tilespmem:s25+$0x6200] =	vst.msk vm0, v6  }
0xc1: {  	v5 =	vld [tilespmem:s24+$0x24C0];
	v6 =	vxor.u32 $0x80000000, v7  }
0xc2: {  	(xrf0) =	vmax.scan.msk.u32 $0xffff, v6;
	_ =	sdelay $0x3  }
0xc3: {  	v6 =	vsub.f32 v2, v5;
	_ =	sdelay $0x1  }
0xc4: {  	v6 =	vmul.f32 $-5.000000070e-02, v6;
	v7, _, _ =	vpop (xrf0)  }
0xc5: {  	(v2sf) =	vpush v7, $0xF  }
0xc6: {  	v6 =	vmul.f32 $1.442695020e+00, v6;
	_ =	sdelay $0x1  }
0xc7: {  	(erf) = vpow2.f32 v6;
	_ =	sdelay $0x3  }
0xc8: {  	v7 =	vld [tilespmem:s24+$0x1880]  }
0xc9: {  	v6 =	vld [tilespmem:s24+$0x3D40];
	_ =	sdelay $0x1  }
0xca: {  	v8 =	vld [tilespmem:s24+$0x4980];
	_ =	sdelay $0x1  }
0xcb: {  	v9 =	vpop (erf)  }
0xcc: {  	v10 =	vmul.f32 v6, v4;
	v6 =	vld [tilespmem:s24+$0x3100];
	v9 =	vmul.f32 v9, v7;
	_ =	sdelay $0x1  }
0xcd: {  	s30 =	simm.s32 $0x80;
	s26 =	smov.u32 s6;
	vm0 =	vgt.f32 v8, $0.0e+00;
	v8 =	vadd.f32 v9, v10;
	s29 =	spop (v2sf)  }
.LBB2_9:
0xce: {  	s25 =	sadd.s32 s29, s25  }
0xcf: {  	s26 =	sadd.s32 $0x10, s26;
	s29 =	smov.u32 s30;
	s28 =	sadd.s32 $0x40, s30  }
0xd0: {  	p0 =	sne.s32 s30, $0x30C0;
	v7 =	vsel vm0, v8, v7;
	vm1 =	vlt.s32 v6, $0x0;
	s25 =	sadd.s32 $0x80000000, s25  }
0xd1: {  	vm2 =	vge.f32 v7, $3.000000120e-01;
	[tilespmem:s24+$0x1880] =	vst v7  }
0xd2: {  	v7 =	vmov s26;
	vm1 =	vmand vm1, vm2  }
0xd3: {  	v5 =	vsel vm0, v2, v5;
	vm0 =	vmand vm0, vm1;
	vm1 =	vlt.u32 v7, $0xBF80  }
0xd4: {  	[tilespmem:s24+$0x24C0] =	vst v5;
	v5 =	vsel vm0, v3, v6;
	v6 =	vor.u32 s26, v0;
	vm0 =	vmand vm1, vm0  }
0xd5: {  	[tilespmem:s24+$0x3100] =	vst v5;
	s24 =	sshra.s32 s29, $0x2;
	v7 =	vmpcnt.ones.xlane vm0  }
0xd6: {  	[tilespmem:s25+$0x6200] =	vst.msk vm0, v6  }
0xd7: {  	v5 =	vld [tilespmem:s24+$0x24C0];
	v6 =	vxor.u32 $0x80000000, v7  }
0xd8: {  	(xrf0) =	vmax.scan.msk.u32 $0xffff, v6;
	_ =	sdelay $0x3  }
0xd9: {  	v6 =	vsub.f32 v2, v5;
	_ =	sdelay $0x1  }
0xda: {  	v6 =	vmul.f32 $-5.000000070e-02, v6;
	v7, _, _ =	vpop (xrf0)  }
0xdb: {  	(v2sf) =	vpush v7, $0xF  }
0xdc: {  	v6 =	vmul.f32 $1.442695020e+00, v6;
	_ =	sdelay $0x1  }
0xdd: {  	(erf) = vpow2.f32 v6;
	_ =	sdelay $0x2  }
0xde: {  	v8 =	vld [tilespmem:s24+$0x3D40]  }
0xdf: {  	v7 =	vld [tilespmem:s24+$0x1880];
	_ =	sdelay $0x2  }
0xe0: {  	v9 =	vld [tilespmem:s24+$0x4980]  }
.Ltmp5:
0xe1: {  	(pc) =	sbr.rel @p0 .LBB2_9-.Ltmp5, $3  }
0xe2: {  	v8 =	vmul.f32 v8, v4;
	v6 =	vld [tilespmem:s24+$0x3100];
	v10 =	vpop (erf)  }
0xe3: {  	v10 =	vmul.f32 v10, v7;
	_ =	sdelay $0x1  }
0xe4: {  	s30 =	smov.u32 s28;
	vm0 =	vgt.f32 v9, $0.0e+00;
	v8 =	vadd.f32 v10, v8;
	s29 =	spop (v2sf)  }
0xe5: {  	_ = 	snop  }
0xe6: {  	v4 =	vsel vm0, v8, v7  }
0xe7: {  	s26 =	sadd.s32 $0x10, s26;
	vm1 =	vlt.s32 v6, $0x0;
	vm2 =	vge.f32 v4, $3.000000120e-01  }
0xe8: {  	v62 =	vmov s26;
	vm1 =	vmand vm1, vm2  }
0xe9: {  	vm15 =	vlt.u32 v62, $0xBF80;
	vm1 =	vmand vm0, vm1  }
0xea: {  	vm2 =	vmand vm15, vm1  }
0xeb: {  	v63 =	vmpcnt.ones.xlane vm2;
	_ =	sdelay $0x1  }
0xec: {  	v7 =	vxor.u32 $0x80000000, v63  }
0xed: {  	(xrf0) =	vmax.scan.msk.u32 $0xffff, v7;
	_ =	sdelay $0x5  }
0xee: {  	v7, _, _ =	vpop (xrf0)  }
0xef: {  	(v2sf) =	vpush v7, $0xF;
	_ =	sdelay $0xa  }
0xf0: {  	v2 =	vsel vm0, v2, v5;
	s14 =	sadd.s32 $0x1, s14  }
0xf1: {  	[tilespmem:s24+$0x24C0] =	vst v2;
	p0 =	sne.s32 s14, s13  }
.Ltmp6:
0xf2: {  	s25 =	sadd.s32 s29, s25;
	[tilespmem:s24+$0x1880] =	vst v4;
	v2 =	vsel vm1, v3, v6;
	(pc) =	sbr.rel @p0 .LBB2_4-.Ltmp6, $4  }
0xf3: {  	s25 =	sadd.s32 $0x80000000, s25;
	v3 =	vor.u32 s26, v0;
	[tilespmem:s24+$0x3100] =	vst v2  }
0xf4: {  	[tilespmem:s25+$0x6200] =	vst.msk vm2, v3;
	s31 =	spop (v2sf)  }
0xf5: {  	s24 =	sadd.s32 s31, s25;
	[bflag:$0x0] =	sbarrier.arrive $0xFFFF  }
0xf6: {  	s25 =	sadd.s32 $0x80000000, s24  }
.LBB2_11:
0xf7: {  	p0 =	sne.s32 s3, $0xF  }
0xf8: {  	s4 =	simm.s32 @!p0 $0x0;
	s5 =	simm.s32 @!p0 $0x38C0  }
0xf9: {  	[hbm4b:s2+s4] =	stream.linear.scatter @!p0 [tilespmem:s5], [sflag:$0x1], $0x3D0, $0x38;
	[tilespmem:$0x7C60] =	vst v63  }
0xfa: {  	s2 =	simm.s32 @!p0 $0x1  }
0xfb: {  	_ =	swait.ge @!p0 [sflag:s2], $0x3D0  }
0xfc: {  	[sflag:s2] =	ssyncset.done @!p0 $0x0  }
0xfd: {  	s5 =	simm.s32 @!p0 $0x2040;
	[sflag:s2] =	ssyncadd.s32 @!p0 $0xFFFFFC30  }
0xfe: {  	[hbm4b:s1+s4] =	stream.linear.scatter @!p0 [tilespmem:s5], [sflag:$0x1], $0x3D0, $0x38;
	[tilespmem:$0x7C60] =	vst v63  }
0xff: {  	_ =	swait.ge @!p0 [sflag:s2], $0x3D0  }
0x100: {  	[sflag:s2] =	ssyncset.done @!p0 $0x0  }
0x101: {  	[sflag:s2] =	ssyncadd.s32 @!p0 $0xFFFFFC30  }
0x102: {  	_ =	sfence.sel $0x180000  }
0x103: {  	[bflag:$0x0] =	sbarrier.arrive $0xFFFF  }
0x104: {  	p0 =	sne.s32 s3, $0x0;
	_ =	strace $0x90000047  }
0x105: {  	s0 =	sadd.s32 @!p0 $0x100000, s0;
	[bflag:$0x2] =	sbarrier.arrive $0xFFFF  }
0x106: {  	[sflag:s0] =	ssyncadd.tile.s32 @!p0 $0x1;
	_ =	shalt  }
.Lfunc_end2:
_tile_overlayer_lowered:
.L_overlay_start_2:
0x107: {  	(tag) =	ssettag $0x2  }
0x108: {  	s0 =	rddreg [dreg:$0x0];
	s2 =	stileid.u32  }
0x109: {  	s1 =	rddreg [dreg:$0x1];
	p0 =	sne.s32 s2, $0x0  }
0x10a: {  	s3 =	rddreg [dreg:$0x2];
	[bflag:$0x3] =	sbarrier.arrive $0xFFFF;
	s2 =	simm.s32 @!p0 $0x1C01  }
0x10b: {  	[timem:s3], [sflag:s2] =	dma.local @!p0 [hbm:s0], s1  }
0x10c: {  	s0 =	simm.s32 @!p0 $0x1  }
0x10d: {  	_ =	swait.ge @!p0 [sflag:s0], s1  }
0x10e: {  	s1 =	ssub.s32 @!p0 $0x0, s1;
	[sflag:s0] =	ssyncset.done @!p0 $0x0  }
0x10f: {  	[sflag:s0] =	ssyncadd.s32 @!p0 s1  }
0x110: {  	[bflag:$0x3] =	sbarrier.arrive $0xFFFF  }
0x111: {  	_ =	shalt  }

</sc_bundles>
